<compile_context>
chip_gen: v7x
topology: tpu7x:2x2x1
jax: 0.10.2.dev20260603
libtpu: 0.0.44.dev20260713+nightly
codegen_flags: <defaults>
</compile_context>

<pallas_src>
import functools

import jax
import jax.numpy as jnp
from jax import lax
from jax.experimental import pallas as pl
from jax.experimental.pallas import tpu as pltpu
from jax.experimental.pallas import tpu_sc as plsc

N_NODES = 10000
D_FEAT = 128
N_EDGES = 320000

NC = 2
NS = 16
NW = NC * NS
EDGES_PER_W = N_EDGES // NW
CHUNK = 80
NCHUNK = EDGES_PER_W // CHUNK
ZROWS = 25
ROWS_PER_TILE = N_NODES // NS
WROWS = 125
LANES = 16

_mesh = plsc.VectorSubcoreMesh(core_axis_name="c", subcore_axis_name="s")


@functools.partial(
    pl.kernel,
    out_type=jax.ShapeDtypeStruct((NC, N_NODES, D_FEAT), jnp.float32),
    mesh=_mesh,
    compiler_params=pltpu.CompilerParams(use_tc_tiling_on_sc=False),
    scratch_types=[
        pltpu.VMEM((EDGES_PER_W,), jnp.int32),
        pltpu.VMEM((EDGES_PER_W,), jnp.int32),
        pltpu.VMEM((CHUNK, D_FEAT), jnp.float32),
        pltpu.VMEM((CHUNK, D_FEAT), jnp.float32),
        pltpu.VMEM((CHUNK, D_FEAT), jnp.float32),
        pltpu.VMEM_SHARED((N_NODES, D_FEAT), jnp.float32),
        pltpu.SemaphoreType.DMA,
        pltpu.SemaphoreType.DMA,
        pltpu.SemaphoreType.DMA,
        pltpu.SemaphoreType.DMA,
        pltpu.SemaphoreType.DMA,
        pltpu.SemaphoreType.DMA,
    ],
)
def _gather_scatter_sc(x_hbm, ei_hbm, out_hbm,
                       row_v, col_v, xa, xb, xc, acc,
                       sga, sgb, sgc, ssa, ssb, ssc):
    c = lax.axis_index("c")
    s = lax.axis_index("s")
    wid = s * NC + c
    ebase = wid * EDGES_PER_W

    with jax.named_scope("stage_idx"):
        idx_a = pltpu.async_copy(ei_hbm.at[0, pl.ds(ebase, EDGES_PER_W)],
                                 row_v, sga)
        idx_b = pltpu.async_copy(ei_hbm.at[1, pl.ds(ebase, EDGES_PER_W)],
                                 col_v, sgb)

    def _g(chunk, buf, sem):
        return pltpu.async_copy(
            x_hbm.at[row_v.at[pl.ds(chunk * CHUNK, CHUNK)]], buf, sem)

    def _gwait(chunk, buf, sem):
        pltpu.make_async_copy(
            x_hbm.at[row_v.at[pl.ds(chunk * CHUNK, CHUNK)]], buf, sem).wait()

    def _s(chunk, buf, sem):
        return pltpu.async_copy(
            buf, acc.at[col_v.at[pl.ds(chunk * CHUNK, CHUNK)]], sem, add=True)

    def _swait(chunk, buf, sem):
        pltpu.make_async_copy(
            buf, acc.at[col_v.at[pl.ds(chunk * CHUNK, CHUNK)]], sem).wait()

    zv = jnp.zeros((LANES,), jnp.float32)

    with jax.named_scope("zero_acc"):
        def _zrow(i, _):
            def _zcol(k, _):
                xc[i, pl.ds(k * LANES, LANES)] = zv
                return 0
            return lax.fori_loop(0, D_FEAT // LANES, _zcol, 0)

        lax.fori_loop(0, ZROWS, _zrow, 0)

        idx_a.wait()
        idx_b.wait()
        _g(0, xa, sga)
        _g(1, xb, sgb)

        base_row = s * ROWS_PER_TILE
        zsrc = xc.at[pl.ds(0, ZROWS)]

        def _zacc(j, _):
            pltpu.async_copy(zsrc, acc.at[pl.ds(base_row + j * ZROWS, ZROWS)],
                             ssa)
            return 0

        nz = ROWS_PER_TILE // ZROWS
        lax.fori_loop(0, nz, _zacc, 0)

        def _zdrain(j, _):
            pltpu.make_async_copy(
                zsrc, acc.at[pl.ds(base_row, ZROWS)], ssa).wait()
            return 0

        lax.fori_loop(0, nz, _zdrain, 0)
        plsc.subcore_barrier()

    bufs = (xa, xb, xc)
    gsems = (sga, sgb, sgc)
    ssems = (ssa, ssb, ssc)

    with jax.named_scope("edge_loop"):
        _gwait(0, xa, sga)
        _s(0, xa, ssa)
        _g(2, xc, sgc)
        _gwait(1, xb, sgb)
        _s(1, xb, ssb)
        _swait(0, xa, ssa)
        _g(3, xa, sga)
        _gwait(2, xc, sgc)
        _s(2, xc, ssc)
        _swait(1, xb, ssb)
        _g(4, xb, sgb)

        def _triple(j, _):
            for i in range(3):
                ch = 3 * j + i
                _gwait(ch, bufs[i], gsems[i])
                _s(ch, bufs[i], ssems[i])
                km1 = (i + 2) % 3
                _swait(ch - 1, bufs[km1], ssems[km1])
                _g(ch + 2, bufs[km1], gsems[km1])
            return 0

        lax.fori_loop(1, 41, _triple, 0)
        _gwait(123, xa, sga)
        _s(123, xa, ssa)
        _swait(122, xc, ssc)
        _gwait(124, xb, sgb)
        _s(124, xb, ssb)
        _swait(123, xa, ssa)
        _swait(124, xb, ssb)
        plsc.subcore_barrier()

    with jax.named_scope("writeout"):
        def _wout(j, _):
            r0 = base_row + j * WROWS
            pltpu.async_copy(acc.at[pl.ds(r0, WROWS)],
                             out_hbm.at[c, pl.ds(r0, WROWS)], ssa)
            return 0

        nw = ROWS_PER_TILE // WROWS
        lax.fori_loop(0, nw, _wout, 0)

        def _wdrain(j, _):
            pltpu.make_async_copy(
                acc.at[pl.ds(base_row, WROWS)],
                out_hbm.at[c, pl.ds(base_row, WROWS)], ssa).wait()
            return 0

        lax.fori_loop(0, nw, _wdrain, 0)


def _combine_body(p_ref, o_ref):
    o_ref[...] = p_ref[0] + p_ref[1]


_combine_tc = pl.pallas_call(
    _combine_body,
    grid=(10,),
    in_specs=[pl.BlockSpec((2, N_NODES // 10, D_FEAT), lambda i: (0, i, 0))],
    out_specs=pl.BlockSpec((N_NODES // 10, D_FEAT), lambda i: (i, 0)),
    out_shape=jax.ShapeDtypeStruct((N_NODES, D_FEAT), jnp.float32),
)


def kernel(x, edge_index):
    partials = _gather_scatter_sc(x, edge_index.astype(jnp.int32))
    return _combine_tc(partials)

# --- scband reference (transcript-rebuilt; emitter-appended) ---
"""Pipeline reference for scband-test-module-77601469104783 (READ-ONLY COPY).

The authoritative reference and input builder live on the scoring server;
editing this copy changes nothing except your own understanding.
"""

import jax, jax.numpy as jnp
import numpy as np

N_NODES = 10000
D_FEAT = 128
N_EDGES = 320000

def setup_inputs(seed: int = 0) -> dict:
    key = jax.random.key(seed)
    kx, ke = jax.random.split(key, 2)
    x = jax.random.normal(kx, (N_NODES, D_FEAT), dtype=jnp.float32)
    edge_index = jax.random.randint(ke, (2, N_EDGES), 0, N_NODES, dtype=jnp.int64 if jax.config.jax_enable_x64 else jnp.int32)
    return {"x": x, "edge_index": edge_index}

def reference(x, edge_index):
    # row, col = edge_index
    row = edge_index[0]
    col = edge_index[1]
    # x_j = x[row]  (gather source node features along edges)
    x_j = jnp.take(x, row, axis=0)
    # scatter(x_j, col, dim_size=x.size(0), reduce='sum')
    out = jax.ops.segment_sum(x_j, col, num_segments=x.shape[0])
    return out

if __name__ == "__main__":
    import jax
    _d = setup_inputs()
    print(jax.jit(kernel)(*tuple(_d.values())))

</pallas_src>

<mosaic_0001>
#map = affine_map<(d0, d1) -> (0, 0)>
#map1 = affine_map<(d0, d1) -> (0, 0, 0)>
module attributes {stable_mosaic.version = 14 : i64} {
  func.func @_gather_scatter_sc(%arg0: i32, %arg1: i32, %arg2: memref<10000x128xf32, #tpu.memory_space<hbm>>, %arg3: memref<2x320000xi32, #tpu.memory_space<hbm>>, %arg4: memref<2x10000x128xf32, #tpu.memory_space<hbm>>, %arg5: memref<10000xi32, #tpu.memory_space<vmem>>, %arg6: memref<10000xi32, #tpu.memory_space<vmem>>, %arg7: memref<80x128xf32, #tpu.memory_space<vmem>>, %arg8: memref<80x128xf32, #tpu.memory_space<vmem>>, %arg9: memref<80x128xf32, #tpu.memory_space<vmem>>, %arg10: memref<10000x128xf32, #tpu.memory_space<vmem_shared>>, %arg11: memref<!tpu.dma_semaphore, #tpu.memory_space<semaphore_mem>>, %arg12: memref<!tpu.dma_semaphore, #tpu.memory_space<semaphore_mem>>, %arg13: memref<!tpu.dma_semaphore, #tpu.memory_space<semaphore_mem>>, %arg14: memref<!tpu.dma_semaphore, #tpu.memory_space<semaphore_mem>>, %arg15: memref<!tpu.dma_semaphore, #tpu.memory_space<semaphore_mem>>, %arg16: memref<!tpu.dma_semaphore, #tpu.memory_space<semaphore_mem>>) attributes {dimension_semantics = [#tpu.dimension_semantics<core_parallel>, #tpu.dimension_semantics<subcore_parallel>], iteration_bounds = array<i64: 2, 16>, scalar_prefetch = 0 : i64, scratch_operands = 12 : i64, tpu.core_type = #tpu.core_type<sc_vector_subcore>, window_params = [{transform_indices = #map}, {transform_indices = #map}, {transform_indices = #map1}]} {
    %mul3A = arith.constant 2 : i32
    %mul3A_0 = arith.muli %arg1, %mul3A : i32
    %add3A = arith.addi %mul3A_0, %arg0 : i32
    %mul3A_1 = arith.constant 10000 : i32
    %mul3A_2 = arith.muli %add3A, %mul3A_1 : i32
    %dma_start3A = arith.constant 0 : i32
    "tpu.trace_start"() <{level = 10 : i32, message = "stage_idx"}> : () -> ()
    %dma_start3A_3 = tpu.memref_slice %arg3[%dma_start3A, %mul3A_2] : memref<2x320000xi32, #tpu.memory_space<hbm>> -> memref<1x10000xi32, #tpu.memory_space<hbm>>
    %dma_start3A_4 = tpu.memref_squeeze %dma_start3A_3 : memref<1x10000xi32, #tpu.memory_space<hbm>> -> memref<10000xi32, #tpu.memory_space<hbm>>
    %dma_start3A_5 = tpu.memref_slice %arg3[%dma_start3A, %mul3A_2] : memref<2x320000xi32, #tpu.memory_space<hbm>> -> memref<1x10000xi32, #tpu.memory_space<hbm>>
    %dma_start3A_6 = tpu.memref_squeeze %dma_start3A_5 : memref<1x10000xi32, #tpu.memory_space<hbm>> -> memref<10000xi32, #tpu.memory_space<hbm>>
    tpu.enqueue_dma source(%dma_start3A_6 : memref<10000xi32, #tpu.memory_space<hbm>>) target(%arg5 : memref<10000xi32, #tpu.memory_space<vmem>>) target_semaphore(%arg11 : memref<!tpu.dma_semaphore, #tpu.memory_space<semaphore_mem>>)
    %dma_start3A_7 = arith.constant 1 : i32
    %dma_start3A_8 = tpu.memref_slice %arg3[%dma_start3A_7, %mul3A_2] : memref<2x320000xi32, #tpu.memory_space<hbm>> -> memref<1x10000xi32, #tpu.memory_space<hbm>>
    %dma_start3A_9 = tpu.memref_squeeze %dma_start3A_8 : memref<1x10000xi32, #tpu.memory_space<hbm>> -> memref<10000xi32, #tpu.memory_space<hbm>>
    %dma_start3A_10 = tpu.memref_slice %arg3[%dma_start3A_7, %mul3A_2] : memref<2x320000xi32, #tpu.memory_space<hbm>> -> memref<1x10000xi32, #tpu.memory_space<hbm>>
    %dma_start3A_11 = tpu.memref_squeeze %dma_start3A_10 : memref<1x10000xi32, #tpu.memory_space<hbm>> -> memref<10000xi32, #tpu.memory_space<hbm>>
    tpu.enqueue_dma source(%dma_start3A_11 : memref<10000xi32, #tpu.memory_space<hbm>>) target(%arg6 : memref<10000xi32, #tpu.memory_space<vmem>>) target_semaphore(%arg12 : memref<!tpu.dma_semaphore, #tpu.memory_space<semaphore_mem>>)
    %broadcast_in_dim3A = arith.constant 0.000000e+00 : f32
    "tpu.trace_stop"() : () -> ()
    %broadcast_in_dim3A_12 = vector.broadcast %broadcast_in_dim3A : f32 to vector<16xf32>
    "tpu.trace_start"() <{level = 10 : i32, message = "zero_acc"}> : () -> ()
    %scan3A = arith.constant 0 : i32
    %scan3A_13 = arith.constant 0 : i32
    %scan3A_14 = arith.constant 25 : i32
    %scan3A_15 = arith.addi %scan3A_13, %scan3A_14 : i32
    %scan3A_16 = arith.constant 1 : i32
    %scan3A_17 = scf.for %scan3A_166 = %scan3A_13 to %scan3A_15 step %scan3A_16 iter_args(%scan3A_167 = %scan3A) -> (i32)  : i32 {
      %scan3A_168 = arith.constant 0 : i32
      %scan3A_169 = arith.constant 0 : i32
      %scan3A_170 = arith.constant 8 : i32
      %scan3A_171 = arith.addi %scan3A_169, %scan3A_170 : i32
      %scan3A_172 = arith.constant 1 : i32
      %scan3A_173 = scf.for %scan3A_175 = %scan3A_169 to %scan3A_171 step %scan3A_172 iter_args(%scan3A_176 = %scan3A_168) -> (i32)  : i32 {
        %mul3A_177 = arith.constant 16 : i32
        %mul3A_178 = arith.muli %scan3A_175, %mul3A_177 : i32
        %swap3A = arith.index_cast %scan3A_166 : i32 to index
        %swap3A_179 = arith.index_cast %mul3A_178 : i32 to index
        %swap3A_180 = tpu.vector_load %arg9[%swap3A, %swap3A_179] {strides = array<i32>} : memref<80x128xf32, #tpu.memory_space<vmem>>, vector<1x16xf32>,
        %swap3A_181 = vector.shape_cast %swap3A_180 : vector<1x16xf32> to vector<16xf32>
        %swap3A_182 = vector.shape_cast %broadcast_in_dim3A_12 : vector<16xf32> to vector<1x16xf32>
        tpu.vector_store %arg9[%swap3A, %swap3A_179], %swap3A_182 {strides = array<i32>} : memref<80x128xf32, #tpu.memory_space<vmem>>, vector<1x16xf32>,
        %scan3A_183 = arith.constant 0 : i32
        scf.yield %scan3A_183 : i32
      }
      %scan3A_174 = arith.constant 8 : i32
      scf.yield %scan3A_173 : i32
    }
    %scan3A_18 = arith.constant 25 : i32
    %dma_wait3A = arith.constant 0 : i32
    %dma_wait3A_19 = tpu.memref_slice %arg3[%dma_wait3A, %mul3A_2] : memref<2x320000xi32, #tpu.memory_space<hbm>> -> memref<1x10000xi32, #tpu.memory_space<hbm>>
    %dma_wait3A_20 = tpu.memref_squeeze %dma_wait3A_19 : memref<1x10000xi32, #tpu.memory_space<hbm>> -> memref<10000xi32, #tpu.memory_space<hbm>>
    %dma_wait3A_21 = tpu.memref_slice %arg3[%dma_wait3A, %mul3A_2] : memref<2x320000xi32, #tpu.memory_space<hbm>> -> memref<1x10000xi32, #tpu.memory_space<hbm>>
    %dma_wait3A_22 = tpu.memref_squeeze %dma_wait3A_21 : memref<1x10000xi32, #tpu.memory_space<hbm>> -> memref<10000xi32, #tpu.memory_space<hbm>>
    tpu.wait_dma2 semaphore(%arg11 : memref<!tpu.dma_semaphore, #tpu.memory_space<semaphore_mem>>) src(%dma_wait3A_22 : memref<10000xi32, #tpu.memory_space<hbm>>) dst(%arg5 : memref<10000xi32, #tpu.memory_space<vmem>>)
    %dma_wait3A_23 = arith.constant 1 : i32
    %dma_wait3A_24 = tpu.memref_slice %arg3[%dma_wait3A_23, %mul3A_2] : memref<2x320000xi32, #tpu.memory_space<hbm>> -> memref<1x10000xi32, #tpu.memory_space<hbm>>
    %dma_wait3A_25 = tpu.memref_squeeze %dma_wait3A_24 : memref<1x10000xi32, #tpu.memory_space<hbm>> -> memref<10000xi32, #tpu.memory_space<hbm>>
    %dma_wait3A_26 = tpu.memref_slice %arg3[%dma_wait3A_23, %mul3A_2] : memref<2x320000xi32, #tpu.memory_space<hbm>> -> memref<1x10000xi32, #tpu.memory_space<hbm>>
    %dma_wait3A_27 = tpu.memref_squeeze %dma_wait3A_26 : memref<1x10000xi32, #tpu.memory_space<hbm>> -> memref<10000xi32, #tpu.memory_space<hbm>>
    tpu.wait_dma2 semaphore(%arg12 : memref<!tpu.dma_semaphore, #tpu.memory_space<semaphore_mem>>) src(%dma_wait3A_27 : memref<10000xi32, #tpu.memory_space<hbm>>) dst(%arg6 : memref<10000xi32, #tpu.memory_space<vmem>>)
    %dma_start3A_28 = arith.constant 0 : i32
    %dma_start3A_29 = tpu.memref_slice %arg5[%dma_start3A_28] : memref<10000xi32, #tpu.memory_space<vmem>> -> memref<80xi32, #tpu.memory_space<vmem>>
    %dma_start3A_30 = arith.constant 0 : i32
    %dma_start3A_31 = arith.constant 0 : i32
    %dma_start3A_32 = tpu.memref_slice %arg2[%dma_start3A_30, %dma_start3A_31] : memref<10000x128xf32, #tpu.memory_space<hbm>> -> memref<10000x128xf32, #tpu.memory_space<hbm>>
    tpu.enqueue_indirect_dma source(%dma_start3A_32 : memref<10000x128xf32, #tpu.memory_space<hbm>>) target(%arg7 : memref<80x128xf32, #tpu.memory_space<vmem>>) offsets(%dma_start3A_29 : memref<80xi32, #tpu.memory_space<vmem>>) semaphore(%arg11 : memref<!tpu.dma_semaphore, #tpu.memory_space<semaphore_mem>>)
    %dma_start3A_33 = arith.constant 80 : i32
    %dma_start3A_34 = tpu.memref_slice %arg5[%dma_start3A_33] : memref<10000xi32, #tpu.memory_space<vmem>> -> memref<80xi32, #tpu.memory_space<vmem>>
    %dma_start3A_35 = arith.constant 0 : i32
    %dma_start3A_36 = arith.constant 0 : i32
    %dma_start3A_37 = tpu.memref_slice %arg2[%dma_start3A_35, %dma_start3A_36] : memref<10000x128xf32, #tpu.memory_space<hbm>> -> memref<10000x128xf32, #tpu.memory_space<hbm>>
    tpu.enqueue_indirect_dma source(%dma_start3A_37 : memref<10000x128xf32, #tpu.memory_space<hbm>>) target(%arg8 : memref<80x128xf32, #tpu.memory_space<vmem>>) offsets(%dma_start3A_34 : memref<80xi32, #tpu.memory_space<vmem>>) semaphore(%arg12 : memref<!tpu.dma_semaphore, #tpu.memory_space<semaphore_mem>>)
    %mul3A_38 = arith.constant 625 : i32
    %mul3A_39 = arith.muli %arg1, %mul3A_38 : i32
    %scan3A_40 = arith.constant 0 : i32
    %scan3A_41 = arith.constant 0 : i32
    %scan3A_42 = arith.constant 25 : i32
    %scan3A_43 = arith.addi %scan3A_41, %scan3A_42 : i32
    %scan3A_44 = arith.constant 1 : i32
    %scan3A_45 = scf.for %scan3A_166 = %scan3A_41 to %scan3A_43 step %scan3A_44 iter_args(%scan3A_167 = %scan3A_40) -> (i32)  : i32 {
      %mul3A_168 = arith.constant 25 : i32
      %mul3A_169 = arith.muli %scan3A_166, %mul3A_168 : i32
      %add3A_170 = arith.addi %mul3A_39, %mul3A_169 : i32
      %dma_start3A_171 = arith.constant 0 : i32
      %dma_start3A_172 = arith.constant 0 : i32
      %dma_start3A_173 = tpu.memref_slice %arg9[%dma_start3A_171, %dma_start3A_172] : memref<80x128xf32, #tpu.memory_space<vmem>> -> memref<25x128xf32, #tpu.memory_space<vmem>>
      %dma_start3A_174 = arith.constant 0 : i32
      %dma_start3A_175 = tpu.memref_slice %arg10[%add3A_170, %dma_start3A_174] : memref<10000x128xf32, #tpu.memory_space<vmem_shared>> -> memref<25x128xf32, #tpu.memory_space<vmem_shared>>
      %dma_start3A_176 = arith.constant 0 : i32
      %dma_start3A_177 = tpu.memref_slice %arg10[%add3A_170, %dma_start3A_176] : memref<10000x128xf32, #tpu.memory_space<vmem_shared>> -> memref<25x128xf32, #tpu.memory_space<vmem_shared>>
      %dma_start3A_178 = arith.constant 0 : i32
      %dma_start3A_179 = arith.constant 0 : i32
      %dma_start3A_180 = tpu.memref_slice %arg9[%dma_start3A_178, %dma_start3A_179] : memref<80x128xf32, #tpu.memory_space<vmem>> -> memref<25x128xf32, #tpu.memory_space<vmem>>
      tpu.enqueue_dma source(%dma_start3A_180 : memref<25x128xf32, #tpu.memory_space<vmem>>) target(%dma_start3A_177 : memref<25x128xf32, #tpu.memory_space<vmem_shared>>) target_semaphore(%arg14 : memref<!tpu.dma_semaphore, #tpu.memory_space<semaphore_mem>>)
      %scan3A_181 = arith.constant 0 : i32
      scf.yield %scan3A_181 : i32
    }
    %scan3A_46 = arith.constant 25 : i32
    %scan3A_47 = arith.constant 0 : i32
    %scan3A_48 = arith.constant 0 : i32
    %scan3A_49 = arith.constant 25 : i32
    %scan3A_50 = arith.addi %scan3A_48, %scan3A_49 : i32
    %scan3A_51 = arith.constant 1 : i32
    %scan3A_52 = scf.for %scan3A_166 = %scan3A_48 to %scan3A_50 step %scan3A_51 iter_args(%scan3A_167 = %scan3A_47) -> (i32)  : i32 {
      %dma_wait3A_168 = arith.constant 0 : i32
      %dma_wait3A_169 = arith.constant 0 : i32
      %dma_wait3A_170 = tpu.memref_slice %arg9[%dma_wait3A_168, %dma_wait3A_169] : memref<80x128xf32, #tpu.memory_space<vmem>> -> memref<25x128xf32, #tpu.memory_space<vmem>>
      %dma_wait3A_171 = arith.constant 0 : i32
      %dma_wait3A_172 = tpu.memref_slice %arg10[%mul3A_39, %dma_wait3A_171] : memref<10000x128xf32, #tpu.memory_space<vmem_shared>> -> memref<25x128xf32, #tpu.memory_space<vmem_shared>>
      %dma_wait3A_173 = arith.constant 0 : i32
      %dma_wait3A_174 = tpu.memref_slice %arg10[%mul3A_39, %dma_wait3A_173] : memref<10000x128xf32, #tpu.memory_space<vmem_shared>> -> memref<25x128xf32, #tpu.memory_space<vmem_shared>>
      %dma_wait3A_175 = arith.constant 0 : i32
      %dma_wait3A_176 = arith.constant 0 : i32
      %dma_wait3A_177 = tpu.memref_slice %arg9[%dma_wait3A_175, %dma_wait3A_176] : memref<80x128xf32, #tpu.memory_space<vmem>> -> memref<25x128xf32, #tpu.memory_space<vmem>>
      tpu.wait_dma2 semaphore(%arg14 : memref<!tpu.dma_semaphore, #tpu.memory_space<semaphore_mem>>) src(%dma_wait3A_177 : memref<25x128xf32, #tpu.memory_space<vmem>>) dst(%dma_wait3A_174 : memref<25x128xf32, #tpu.memory_space<vmem_shared>>)
      %scan3A_178 = arith.constant 0 : i32
      scf.yield %scan3A_178 : i32
    }
    %scan3A_53 = arith.constant 25 : i32
    %barrier3A = arith.constant 0 : index
    tpu.barrier barrier_id(%barrier3A)
    "tpu.trace_stop"() : () -> ()
    "tpu.trace_start"() <{level = 10 : i32, message = "edge_loop"}> : () -> ()
    %dma_wait3A_54 = arith.constant 0 : i32
    %dma_wait3A_55 = tpu.memref_slice %arg5[%dma_wait3A_54] : memref<10000xi32, #tpu.memory_space<vmem>> -> memref<80xi32, #tpu.memory_space<vmem>>
    %dma_wait3A_56 = arith.constant 0 : i32
    %dma_wait3A_57 = arith.constant 0 : i32
    %dma_wait3A_58 = tpu.memref_slice %arg2[%dma_wait3A_56, %dma_wait3A_57] : memref<10000x128xf32, #tpu.memory_space<hbm>> -> memref<10000x128xf32, #tpu.memory_space<hbm>>
    tpu.wait_indirect_dma semaphore(%arg11 : memref<!tpu.dma_semaphore, #tpu.memory_space<semaphore_mem>>) src(%dma_wait3A_58 : memref<10000x128xf32, #tpu.memory_space<hbm>>) dst(%arg7 : memref<80x128xf32, #tpu.memory_space<vmem>>)
    %dma_start3A_59 = arith.constant 0 : i32
    %dma_start3A_60 = tpu.memref_slice %arg6[%dma_start3A_59] : memref<10000xi32, #tpu.memory_space<vmem>> -> memref<80xi32, #tpu.memory_space<vmem>>
    %dma_start3A_61 = arith.constant 0 : i32
    %dma_start3A_62 = arith.constant 0 : i32
    %dma_start3A_63 = tpu.memref_slice %arg10[%dma_start3A_61, %dma_start3A_62] : memref<10000x128xf32, #tpu.memory_space<vmem_shared>> -> memref<10000x128xf32, #tpu.memory_space<vmem_shared>>
    tpu.enqueue_indirect_dma source(%arg7 : memref<80x128xf32, #tpu.memory_space<vmem>>) target(%dma_start3A_63 : memref<10000x128xf32, #tpu.memory_space<vmem_shared>>) offsets(%dma_start3A_60 : memref<80xi32, #tpu.memory_space<vmem>>) semaphore(%arg14 : memref<!tpu.dma_semaphore, #tpu.memory_space<semaphore_mem>>) {add = true}
    %dma_start3A_64 = arith.constant 160 : i32
    %dma_start3A_65 = tpu.memref_slice %arg5[%dma_start3A_64] : memref<10000xi32, #tpu.memory_space<vmem>> -> memref<80xi32, #tpu.memory_space<vmem>>
    %dma_start3A_66 = arith.constant 0 : i32
    %dma_start3A_67 = arith.constant 0 : i32
    %dma_start3A_68 = tpu.memref_slice %arg2[%dma_start3A_66, %dma_start3A_67] : memref<10000x128xf32, #tpu.memory_space<hbm>> -> memref<10000x128xf32, #tpu.memory_space<hbm>>
    tpu.enqueue_indirect_dma source(%dma_start3A_68 : memref<10000x128xf32, #tpu.memory_space<hbm>>) target(%arg9 : memref<80x128xf32, #tpu.memory_space<vmem>>) offsets(%dma_start3A_65 : memref<80xi32, #tpu.memory_space<vmem>>) semaphore(%arg13 : memref<!tpu.dma_semaphore, #tpu.memory_space<semaphore_mem>>)
    %dma_wait3A_69 = arith.constant 80 : i32
    %dma_wait3A_70 = tpu.memref_slice %arg5[%dma_wait3A_69] : memref<10000xi32, #tpu.memory_space<vmem>> -> memref<80xi32, #tpu.memory_space<vmem>>
    %dma_wait3A_71 = arith.constant 0 : i32
    %dma_wait3A_72 = arith.constant 0 : i32
    %dma_wait3A_73 = tpu.memref_slice %arg2[%dma_wait3A_71, %dma_wait3A_72] : memref<10000x128xf32, #tpu.memory_space<hbm>> -> memref<10000x128xf32, #tpu.memory_space<hbm>>
    tpu.wait_indirect_dma semaphore(%arg12 : memref<!tpu.dma_semaphore, #tpu.memory_space<semaphore_mem>>) src(%dma_wait3A_73 : memref<10000x128xf32, #tpu.memory_space<hbm>>) dst(%arg8 : memref<80x128xf32, #tpu.memory_space<vmem>>)
    %dma_start3A_74 = arith.constant 80 : i32
    %dma_start3A_75 = tpu.memref_slice %arg6[%dma_start3A_74] : memref<10000xi32, #tpu.memory_space<vmem>> -> memref<80xi32, #tpu.memory_space<vmem>>
    %dma_start3A_76 = arith.constant 0 : i32
    %dma_start3A_77 = arith.constant 0 : i32
    %dma_start3A_78 = tpu.memref_slice %arg10[%dma_start3A_76, %dma_start3A_77] : memref<10000x128xf32, #tpu.memory_space<vmem_shared>> -> memref<10000x128xf32, #tpu.memory_space<vmem_shared>>
    tpu.enqueue_indirect_dma source(%arg8 : memref<80x128xf32, #tpu.memory_space<vmem>>) target(%dma_start3A_78 : memref<10000x128xf32, #tpu.memory_space<vmem_shared>>) offsets(%dma_start3A_75 : memref<80xi32, #tpu.memory_space<vmem>>) semaphore(%arg15 : memref<!tpu.dma_semaphore, #tpu.memory_space<semaphore_mem>>) {add = true}
    %dma_wait3A_79 = arith.constant 0 : i32
    %dma_wait3A_80 = tpu.memref_slice %arg6[%dma_wait3A_79] : memref<10000xi32, #tpu.memory_space<vmem>> -> memref<80xi32, #tpu.memory_space<vmem>>
    %dma_wait3A_81 = arith.constant 0 : i32
    %dma_wait3A_82 = arith.constant 0 : i32
    %dma_wait3A_83 = tpu.memref_slice %arg10[%dma_wait3A_81, %dma_wait3A_82] : memref<10000x128xf32, #tpu.memory_space<vmem_shared>> -> memref<10000x128xf32, #tpu.memory_space<vmem_shared>>
    tpu.wait_indirect_dma semaphore(%arg14 : memref<!tpu.dma_semaphore, #tpu.memory_space<semaphore_mem>>) src(%arg7 : memref<80x128xf32, #tpu.memory_space<vmem>>) dst(%dma_wait3A_83 : memref<10000x128xf32, #tpu.memory_space<vmem_shared>>)
    %dma_start3A_84 = arith.constant 240 : i32
    %dma_start3A_85 = tpu.memref_slice %arg5[%dma_start3A_84] : memref<10000xi32, #tpu.memory_space<vmem>> -> memref<80xi32, #tpu.memory_space<vmem>>
    %dma_start3A_86 = arith.constant 0 : i32
    %dma_start3A_87 = arith.constant 0 : i32
    %dma_start3A_88 = tpu.memref_slice %arg2[%dma_start3A_86, %dma_start3A_87] : memref<10000x128xf32, #tpu.memory_space<hbm>> -> memref<10000x128xf32, #tpu.memory_space<hbm>>
    tpu.enqueue_indirect_dma source(%dma_start3A_88 : memref<10000x128xf32, #tpu.memory_space<hbm>>) target(%arg7 : memref<80x128xf32, #tpu.memory_space<vmem>>) offsets(%dma_start3A_85 : memref<80xi32, #tpu.memory_space<vmem>>) semaphore(%arg11 : memref<!tpu.dma_semaphore, #tpu.memory_space<semaphore_mem>>)
    %dma_wait3A_89 = arith.constant 160 : i32
    %dma_wait3A_90 = tpu.memref_slice %arg5[%dma_wait3A_89] : memref<10000xi32, #tpu.memory_space<vmem>> -> memref<80xi32, #tpu.memory_space<vmem>>
    %dma_wait3A_91 = arith.constant 0 : i32
    %dma_wait3A_92 = arith.constant 0 : i32
    %dma_wait3A_93 = tpu.memref_slice %arg2[%dma_wait3A_91, %dma_wait3A_92] : memref<10000x128xf32, #tpu.memory_space<hbm>> -> memref<10000x128xf32, #tpu.memory_space<hbm>>
    tpu.wait_indirect_dma semaphore(%arg13 : memref<!tpu.dma_semaphore, #tpu.memory_space<semaphore_mem>>) src(%dma_wait3A_93 : memref<10000x128xf32, #tpu.memory_space<hbm>>) dst(%arg9 : memref<80x128xf32, #tpu.memory_space<vmem>>)
    %dma_start3A_94 = arith.constant 160 : i32
    %dma_start3A_95 = tpu.memref_slice %arg6[%dma_start3A_94] : memref<10000xi32, #tpu.memory_space<vmem>> -> memref<80xi32, #tpu.memory_space<vmem>>
    %dma_start3A_96 = arith.constant 0 : i32
    %dma_start3A_97 = arith.constant 0 : i32
    %dma_start3A_98 = tpu.memref_slice %arg10[%dma_start3A_96, %dma_start3A_97] : memref<10000x128xf32, #tpu.memory_space<vmem_shared>> -> memref<10000x128xf32, #tpu.memory_space<vmem_shared>>
    tpu.enqueue_indirect_dma source(%arg9 : memref<80x128xf32, #tpu.memory_space<vmem>>) target(%dma_start3A_98 : memref<10000x128xf32, #tpu.memory_space<vmem_shared>>) offsets(%dma_start3A_95 : memref<80xi32, #tpu.memory_space<vmem>>) semaphore(%arg16 : memref<!tpu.dma_semaphore, #tpu.memory_space<semaphore_mem>>) {add = true}
    %dma_wait3A_99 = arith.constant 80 : i32
    %dma_wait3A_100 = tpu.memref_slice %arg6[%dma_wait3A_99] : memref<10000xi32, #tpu.memory_space<vmem>> -> memref<80xi32, #tpu.memory_space<vmem>>
    %dma_wait3A_101 = arith.constant 0 : i32
    %dma_wait3A_102 = arith.constant 0 : i32
    %dma_wait3A_103 = tpu.memref_slice %arg10[%dma_wait3A_101, %dma_wait3A_102] : memref<10000x128xf32, #tpu.memory_space<vmem_shared>> -> memref<10000x128xf32, #tpu.memory_space<vmem_shared>>
    tpu.wait_indirect_dma semaphore(%arg15 : memref<!tpu.dma_semaphore, #tpu.memory_space<semaphore_mem>>) src(%arg8 : memref<80x128xf32, #tpu.memory_space<vmem>>) dst(%dma_wait3A_103 : memref<10000x128xf32, #tpu.memory_space<vmem_shared>>)
    %dma_start3A_104 = arith.constant 320 : i32
    %dma_start3A_105 = tpu.memref_slice %arg5[%dma_start3A_104] : memref<10000xi32, #tpu.memory_space<vmem>> -> memref<80xi32, #tpu.memory_space<vmem>>
    %dma_start3A_106 = arith.constant 0 : i32
    %dma_start3A_107 = arith.constant 0 : i32
    %dma_start3A_108 = tpu.memref_slice %arg2[%dma_start3A_106, %dma_start3A_107] : memref<10000x128xf32, #tpu.memory_space<hbm>> -> memref<10000x128xf32, #tpu.memory_space<hbm>>
    tpu.enqueue_indirect_dma source(%dma_start3A_108 : memref<10000x128xf32, #tpu.memory_space<hbm>>) target(%arg8 : memref<80x128xf32, #tpu.memory_space<vmem>>) offsets(%dma_start3A_105 : memref<80xi32, #tpu.memory_space<vmem>>) semaphore(%arg12 : memref<!tpu.dma_semaphore, #tpu.memory_space<semaphore_mem>>)
    %scan3A_109 = arith.constant 0 : i32
    %scan3A_110 = arith.constant 1 : i32
    %scan3A_111 = arith.constant 40 : i32
    %scan3A_112 = arith.addi %scan3A_110, %scan3A_111 : i32
    %scan3A_113 = arith.constant 1 : i32
    %scan3A_114 = scf.for %scan3A_166 = %scan3A_110 to %scan3A_112 step %scan3A_113 iter_args(%scan3A_167 = %scan3A_109) -> (i32)  : i32 {
      %mul3A_168 = arith.constant 3 : i32
      %mul3A_169 = arith.muli %mul3A_168, %scan3A_166 : i32
      %add3A_170 = arith.constant 0 : i32
      %add3A_171 = arith.addi %mul3A_169, %add3A_170 : i32
      %mul3A_172 = arith.constant 80 : i32
      %mul3A_173 = arith.muli %add3A_171, %mul3A_172 : i32
      %dma_wait3A_174 = tpu.memref_slice %arg5[%mul3A_173] : memref<10000xi32, #tpu.memory_space<vmem>> -> memref<80xi32, #tpu.memory_space<vmem>>
      %dma_wait3A_175 = arith.constant 0 : i32
      %dma_wait3A_176 = arith.constant 0 : i32
      %dma_wait3A_177 = tpu.memref_slice %arg2[%dma_wait3A_175, %dma_wait3A_176] : memref<10000x128xf32, #tpu.memory_space<hbm>> -> memref<10000x128xf32, #tpu.memory_space<hbm>>
      tpu.wait_indirect_dma semaphore(%arg11 : memref<!tpu.dma_semaphore, #tpu.memory_space<semaphore_mem>>) src(%dma_wait3A_177 : memref<10000x128xf32, #tpu.memory_space<hbm>>) dst(%arg7 : memref<80x128xf32, #tpu.memory_space<vmem>>)
      %mul3A_178 = arith.constant 80 : i32
      %mul3A_179 = arith.muli %add3A_171, %mul3A_178 : i32
      %dma_start3A_180 = tpu.memref_slice %arg6[%mul3A_179] : memref<10000xi32, #tpu.memory_space<vmem>> -> memref<80xi32, #tpu.memory_space<vmem>>
      %dma_start3A_181 = arith.constant 0 : i32
      %dma_start3A_182 = arith.constant 0 : i32
      %dma_start3A_183 = tpu.memref_slice %arg10[%dma_start3A_181, %dma_start3A_182] : memref<10000x128xf32, #tpu.memory_space<vmem_shared>> -> memref<10000x128xf32, #tpu.memory_space<vmem_shared>>
      tpu.enqueue_indirect_dma source(%arg7 : memref<80x128xf32, #tpu.memory_space<vmem>>) target(%dma_start3A_183 : memref<10000x128xf32, #tpu.memory_space<vmem_shared>>) offsets(%dma_start3A_180 : memref<80xi32, #tpu.memory_space<vmem>>) semaphore(%arg14 : memref<!tpu.dma_semaphore, #tpu.memory_space<semaphore_mem>>) {add = true}
      %sub3A = arith.constant 1 : i32
      %sub3A_184 = arith.subi %add3A_171, %sub3A : i32
      %mul3A_185 = arith.constant 80 : i32
      %mul3A_186 = arith.muli %sub3A_184, %mul3A_185 : i32
      %dma_wait3A_187 = tpu.memref_slice %arg6[%mul3A_186] : memref<10000xi32, #tpu.memory_space<vmem>> -> memref<80xi32, #tpu.memory_space<vmem>>
      %dma_wait3A_188 = arith.constant 0 : i32
      %dma_wait3A_189 = arith.constant 0 : i32
      %dma_wait3A_190 = tpu.memref_slice %arg10[%dma_wait3A_188, %dma_wait3A_189] : memref<10000x128xf32, #tpu.memory_space<vmem_shared>> -> memref<10000x128xf32, #tpu.memory_space<vmem_shared>>
      tpu.wait_indirect_dma semaphore(%arg16 : memref<!tpu.dma_semaphore, #tpu.memory_space<semaphore_mem>>) src(%arg9 : memref<80x128xf32, #tpu.memory_space<vmem>>) dst(%dma_wait3A_190 : memref<10000x128xf32, #tpu.memory_space<vmem_shared>>)
      %add3A_191 = arith.constant 2 : i32
      %add3A_192 = arith.addi %add3A_171, %add3A_191 : i32
      %mul3A_193 = arith.constant 80 : i32
      %mul3A_194 = arith.muli %add3A_192, %mul3A_193 : i32
      %dma_start3A_195 = tpu.memref_slice %arg5[%mul3A_194] : memref<10000xi32, #tpu.memory_space<vmem>> -> memref<80xi32, #tpu.memory_space<vmem>>
      %dma_start3A_196 = arith.constant 0 : i32
      %dma_start3A_197 = arith.constant 0 : i32
      %dma_start3A_198 = tpu.memref_slice %arg2[%dma_start3A_196, %dma_start3A_197] : memref<10000x128xf32, #tpu.memory_space<hbm>> -> memref<10000x128xf32, #tpu.memory_space<hbm>>
      tpu.enqueue_indirect_dma source(%dma_start3A_198 : memref<10000x128xf32, #tpu.memory_space<hbm>>) target(%arg9 : memref<80x128xf32, #tpu.memory_space<vmem>>) offsets(%dma_start3A_195 : memref<80xi32, #tpu.memory_space<vmem>>) semaphore(%arg13 : memref<!tpu.dma_semaphore, #tpu.memory_space<semaphore_mem>>)
      %mul3A_199 = arith.constant 3 : i32
      %mul3A_200 = arith.muli %mul3A_199, %scan3A_166 : i32
      %add3A_201 = arith.constant 1 : i32
      %add3A_202 = arith.addi %mul3A_200, %add3A_201 : i32
      %mul3A_203 = arith.constant 80 : i32
      %mul3A_204 = arith.muli %add3A_202, %mul3A_203 : i32
      %dma_wait3A_205 = tpu.memref_slice %arg5[%mul3A_204] : memref<10000xi32, #tpu.memory_space<vmem>> -> memref<80xi32, #tpu.memory_space<vmem>>
      %dma_wait3A_206 = arith.constant 0 : i32
      %dma_wait3A_207 = arith.constant 0 : i32
      %dma_wait3A_208 = tpu.memref_slice %arg2[%dma_wait3A_206, %dma_wait3A_207] : memref<10000x128xf32, #tpu.memory_space<hbm>> -> memref<10000x128xf32, #tpu.memory_space<hbm>>
      tpu.wait_indirect_dma semaphore(%arg12 : memref<!tpu.dma_semaphore, #tpu.memory_space<semaphore_mem>>) src(%dma_wait3A_208 : memref<10000x128xf32, #tpu.memory_space<hbm>>) dst(%arg8 : memref<80x128xf32, #tpu.memory_space<vmem>>)
      %mul3A_209 = arith.constant 80 : i32
      %mul3A_210 = arith.muli %add3A_202, %mul3A_209 : i32
      %dma_start3A_211 = tpu.memref_slice %arg6[%mul3A_210] : memref<10000xi32, #tpu.memory_space<vmem>> -> memref<80xi32, #tpu.memory_space<vmem>>
      %dma_start3A_212 = arith.constant 0 : i32
      %dma_start3A_213 = arith.constant 0 : i32
      %dma_start3A_214 = tpu.memref_slice %arg10[%dma_start3A_212, %dma_start3A_213] : memref<10000x128xf32, #tpu.memory_space<vmem_shared>> -> memref<10000x128xf32, #tpu.memory_space<vmem_shared>>
      tpu.enqueue_indirect_dma source(%arg8 : memref<80x128xf32, #tpu.memory_space<vmem>>) target(%dma_start3A_214 : memref<10000x128xf32, #tpu.memory_space<vmem_shared>>) offsets(%dma_start3A_211 : memref<80xi32, #tpu.memory_space<vmem>>) semaphore(%arg15 : memref<!tpu.dma_semaphore, #tpu.memory_space<semaphore_mem>>) {add = true}
      %sub3A_215 = arith.constant 1 : i32
      %sub3A_216 = arith.subi %add3A_202, %sub3A_215 : i32
      %mul3A_217 = arith.constant 80 : i32
      %mul3A_218 = arith.muli %sub3A_216, %mul3A_217 : i32
      %dma_wait3A_219 = tpu.memref_slice %arg6[%mul3A_218] : memref<10000xi32, #tpu.memory_space<vmem>> -> memref<80xi32, #tpu.memory_space<vmem>>
      %dma_wait3A_220 = arith.constant 0 : i32
      %dma_wait3A_221 = arith.constant 0 : i32
      %dma_wait3A_222 = tpu.memref_slice %arg10[%dma_wait3A_220, %dma_wait3A_221] : memref<10000x128xf32, #tpu.memory_space<vmem_shared>> -> memref<10000x128xf32, #tpu.memory_space<vmem_shared>>
      tpu.wait_indirect_dma semaphore(%arg14 : memref<!tpu.dma_semaphore, #tpu.memory_space<semaphore_mem>>) src(%arg7 : memref<80x128xf32, #tpu.memory_space<vmem>>) dst(%dma_wait3A_222 : memref<10000x128xf32, #tpu.memory_space<vmem_shared>>)
      %add3A_223 = arith.constant 2 : i32
      %add3A_224 = arith.addi %add3A_202, %add3A_223 : i32
      %mul3A_225 = arith.constant 80 : i32
      %mul3A_226 = arith.muli %add3A_224, %mul3A_225 : i32
      %dma_start3A_227 = tpu.memref_slice %arg5[%mul3A_226] : memref<10000xi32, #tpu.memory_space<vmem>> -> memref<80xi32, #tpu.memory_space<vmem>>
      %dma_start3A_228 = arith.constant 0 : i32
      %dma_start3A_229 = arith.constant 0 : i32
      %dma_start3A_230 = tpu.memref_slice %arg2[%dma_start3A_228, %dma_start3A_229] : memref<10000x128xf32, #tpu.memory_space<hbm>> -> memref<10000x128xf32, #tpu.memory_space<hbm>>
      tpu.enqueue_indirect_dma source(%dma_start3A_230 : memref<10000x128xf32, #tpu.memory_space<hbm>>) target(%arg7 : memref<80x128xf32, #tpu.memory_space<vmem>>) offsets(%dma_start3A_227 : memref<80xi32, #tpu.memory_space<vmem>>) semaphore(%arg11 : memref<!tpu.dma_semaphore, #tpu.memory_space<semaphore_mem>>)
      %mul3A_231 = arith.constant 3 : i32
      %mul3A_232 = arith.muli %mul3A_231, %scan3A_166 : i32
      %add3A_233 = arith.constant 2 : i32
      %add3A_234 = arith.addi %mul3A_232, %add3A_233 : i32
      %mul3A_235 = arith.constant 80 : i32
      %mul3A_236 = arith.muli %add3A_234, %mul3A_235 : i32
      %dma_wait3A_237 = tpu.memref_slice %arg5[%mul3A_236] : memref<10000xi32, #tpu.memory_space<vmem>> -> memref<80xi32, #tpu.memory_space<vmem>>
      %dma_wait3A_238 = arith.constant 0 : i32
      %dma_wait3A_239 = arith.constant 0 : i32
      %dma_wait3A_240 = tpu.memref_slice %arg2[%dma_wait3A_238, %dma_wait3A_239] : memref<10000x128xf32, #tpu.memory_space<hbm>> -> memref<10000x128xf32, #tpu.memory_space<hbm>>
      tpu.wait_indirect_dma semaphore(%arg13 : memref<!tpu.dma_semaphore, #tpu.memory_space<semaphore_mem>>) src(%dma_wait3A_240 : memref<10000x128xf32, #tpu.memory_space<hbm>>) dst(%arg9 : memref<80x128xf32, #tpu.memory_space<vmem>>)
      %mul3A_241 = arith.constant 80 : i32
      %mul3A_242 = arith.muli %add3A_234, %mul3A_241 : i32
      %dma_start3A_243 = tpu.memref_slice %arg6[%mul3A_242] : memref<10000xi32, #tpu.memory_space<vmem>> -> memref<80xi32, #tpu.memory_space<vmem>>
      %dma_start3A_244 = arith.constant 0 : i32
      %dma_start3A_245 = arith.constant 0 : i32
      %dma_start3A_246 = tpu.memref_slice %arg10[%dma_start3A_244, %dma_start3A_245] : memref<10000x128xf32, #tpu.memory_space<vmem_shared>> -> memref<10000x128xf32, #tpu.memory_space<vmem_shared>>
      tpu.enqueue_indirect_dma source(%arg9 : memref<80x128xf32, #tpu.memory_space<vmem>>) target(%dma_start3A_246 : memref<10000x128xf32, #tpu.memory_space<vmem_shared>>) offsets(%dma_start3A_243 : memref<80xi32, #tpu.memory_space<vmem>>) semaphore(%arg16 : memref<!tpu.dma_semaphore, #tpu.memory_space<semaphore_mem>>) {add = true}
      %sub3A_247 = arith.constant 1 : i32
      %sub3A_248 = arith.subi %add3A_234, %sub3A_247 : i32
      %mul3A_249 = arith.constant 80 : i32
      %mul3A_250 = arith.muli %sub3A_248, %mul3A_249 : i32
      %dma_wait3A_251 = tpu.memref_slice %arg6[%mul3A_250] : memref<10000xi32, #tpu.memory_space<vmem>> -> memref<80xi32, #tpu.memory_space<vmem>>
      %dma_wait3A_252 = arith.constant 0 : i32
      %dma_wait3A_253 = arith.constant 0 : i32
      %dma_wait3A_254 = tpu.memref_slice %arg10[%dma_wait3A_252, %dma_wait3A_253] : memref<10000x128xf32, #tpu.memory_space<vmem_shared>> -> memref<10000x128xf32, #tpu.memory_space<vmem_shared>>
      tpu.wait_indirect_dma semaphore(%arg15 : memref<!tpu.dma_semaphore, #tpu.memory_space<semaphore_mem>>) src(%arg8 : memref<80x128xf32, #tpu.memory_space<vmem>>) dst(%dma_wait3A_254 : memref<10000x128xf32, #tpu.memory_space<vmem_shared>>)
      %add3A_255 = arith.constant 2 : i32
      %add3A_256 = arith.addi %add3A_234, %add3A_255 : i32
      %mul3A_257 = arith.constant 80 : i32
      %mul3A_258 = arith.muli %add3A_256, %mul3A_257 : i32
      %dma_start3A_259 = tpu.memref_slice %arg5[%mul3A_258] : memref<10000xi32, #tpu.memory_space<vmem>> -> memref<80xi32, #tpu.memory_space<vmem>>
      %dma_start3A_260 = arith.constant 0 : i32
      %dma_start3A_261 = arith.constant 0 : i32
      %dma_start3A_262 = tpu.memref_slice %arg2[%dma_start3A_260, %dma_start3A_261] : memref<10000x128xf32, #tpu.memory_space<hbm>> -> memref<10000x128xf32, #tpu.memory_space<hbm>>
      tpu.enqueue_indirect_dma source(%dma_start3A_262 : memref<10000x128xf32, #tpu.memory_space<hbm>>) target(%arg8 : memref<80x128xf32, #tpu.memory_space<vmem>>) offsets(%dma_start3A_259 : memref<80xi32, #tpu.memory_space<vmem>>) semaphore(%arg12 : memref<!tpu.dma_semaphore, #tpu.memory_space<semaphore_mem>>)
      %scan3A_263 = arith.constant 0 : i32
      scf.yield %scan3A_263 : i32
    }
    %scan3A_115 = arith.constant 40 : i32
    %dma_wait3A_116 = arith.constant 9840 : i32
    %dma_wait3A_117 = tpu.memref_slice %arg5[%dma_wait3A_116] : memref<10000xi32, #tpu.memory_space<vmem>> -> memref<80xi32, #tpu.memory_space<vmem>>
    %dma_wait3A_118 = arith.constant 0 : i32
    %dma_wait3A_119 = arith.constant 0 : i32
    %dma_wait3A_120 = tpu.memref_slice %arg2[%dma_wait3A_118, %dma_wait3A_119] : memref<10000x128xf32, #tpu.memory_space<hbm>> -> memref<10000x128xf32, #tpu.memory_space<hbm>>
    tpu.wait_indirect_dma semaphore(%arg11 : memref<!tpu.dma_semaphore, #tpu.memory_space<semaphore_mem>>) src(%dma_wait3A_120 : memref<10000x128xf32, #tpu.memory_space<hbm>>) dst(%arg7 : memref<80x128xf32, #tpu.memory_space<vmem>>)
    %dma_start3A_121 = arith.constant 9840 : i32
    %dma_start3A_122 = tpu.memref_slice %arg6[%dma_start3A_121] : memref<10000xi32, #tpu.memory_space<vmem>> -> memref<80xi32, #tpu.memory_space<vmem>>
    %dma_start3A_123 = arith.constant 0 : i32
    %dma_start3A_124 = arith.constant 0 : i32
    %dma_start3A_125 = tpu.memref_slice %arg10[%dma_start3A_123, %dma_start3A_124] : memref<10000x128xf32, #tpu.memory_space<vmem_shared>> -> memref<10000x128xf32, #tpu.memory_space<vmem_shared>>
    tpu.enqueue_indirect_dma source(%arg7 : memref<80x128xf32, #tpu.memory_space<vmem>>) target(%dma_start3A_125 : memref<10000x128xf32, #tpu.memory_space<vmem_shared>>) offsets(%dma_start3A_122 : memref<80xi32, #tpu.memory_space<vmem>>) semaphore(%arg14 : memref<!tpu.dma_semaphore, #tpu.memory_space<semaphore_mem>>) {add = true}
    %dma_wait3A_126 = arith.constant 9760 : i32
    %dma_wait3A_127 = tpu.memref_slice %arg6[%dma_wait3A_126] : memref<10000xi32, #tpu.memory_space<vmem>> -> memref<80xi32, #tpu.memory_space<vmem>>
    %dma_wait3A_128 = arith.constant 0 : i32
    %dma_wait3A_129 = arith.constant 0 : i32
    %dma_wait3A_130 = tpu.memref_slice %arg10[%dma_wait3A_128, %dma_wait3A_129] : memref<10000x128xf32, #tpu.memory_space<vmem_shared>> -> memref<10000x128xf32, #tpu.memory_space<vmem_shared>>
    tpu.wait_indirect_dma semaphore(%arg16 : memref<!tpu.dma_semaphore, #tpu.memory_space<semaphore_mem>>) src(%arg9 : memref<80x128xf32, #tpu.memory_space<vmem>>) dst(%dma_wait3A_130 : memref<10000x128xf32, #tpu.memory_space<vmem_shared>>)
    %dma_wait3A_131 = arith.constant 9920 : i32
    %dma_wait3A_132 = tpu.memref_slice %arg5[%dma_wait3A_131] : memref<10000xi32, #tpu.memory_space<vmem>> -> memref<80xi32, #tpu.memory_space<vmem>>
    %dma_wait3A_133 = arith.constant 0 : i32
    %dma_wait3A_134 = arith.constant 0 : i32
    %dma_wait3A_135 = tpu.memref_slice %arg2[%dma_wait3A_133, %dma_wait3A_134] : memref<10000x128xf32, #tpu.memory_space<hbm>> -> memref<10000x128xf32, #tpu.memory_space<hbm>>
    tpu.wait_indirect_dma semaphore(%arg12 : memref<!tpu.dma_semaphore, #tpu.memory_space<semaphore_mem>>) src(%dma_wait3A_135 : memref<10000x128xf32, #tpu.memory_space<hbm>>) dst(%arg8 : memref<80x128xf32, #tpu.memory_space<vmem>>)
    %dma_start3A_136 = arith.constant 9920 : i32
    %dma_start3A_137 = tpu.memref_slice %arg6[%dma_start3A_136] : memref<10000xi32, #tpu.memory_space<vmem>> -> memref<80xi32, #tpu.memory_space<vmem>>
    %dma_start3A_138 = arith.constant 0 : i32
    %dma_start3A_139 = arith.constant 0 : i32
    %dma_start3A_140 = tpu.memref_slice %arg10[%dma_start3A_138, %dma_start3A_139] : memref<10000x128xf32, #tpu.memory_space<vmem_shared>> -> memref<10000x128xf32, #tpu.memory_space<vmem_shared>>
    tpu.enqueue_indirect_dma source(%arg8 : memref<80x128xf32, #tpu.memory_space<vmem>>) target(%dma_start3A_140 : memref<10000x128xf32, #tpu.memory_space<vmem_shared>>) offsets(%dma_start3A_137 : memref<80xi32, #tpu.memory_space<vmem>>) semaphore(%arg15 : memref<!tpu.dma_semaphore, #tpu.memory_space<semaphore_mem>>) {add = true}
    %dma_wait3A_141 = arith.constant 9840 : i32
    %dma_wait3A_142 = tpu.memref_slice %arg6[%dma_wait3A_141] : memref<10000xi32, #tpu.memory_space<vmem>> -> memref<80xi32, #tpu.memory_space<vmem>>
    %dma_wait3A_143 = arith.constant 0 : i32
    %dma_wait3A_144 = arith.constant 0 : i32
    %dma_wait3A_145 = tpu.memref_slice %arg10[%dma_wait3A_143, %dma_wait3A_144] : memref<10000x128xf32, #tpu.memory_space<vmem_shared>> -> memref<10000x128xf32, #tpu.memory_space<vmem_shared>>
    tpu.wait_indirect_dma semaphore(%arg14 : memref<!tpu.dma_semaphore, #tpu.memory_space<semaphore_mem>>) src(%arg7 : memref<80x128xf32, #tpu.memory_space<vmem>>) dst(%dma_wait3A_145 : memref<10000x128xf32, #tpu.memory_space<vmem_shared>>)
    %dma_wait3A_146 = arith.constant 9920 : i32
    %dma_wait3A_147 = tpu.memref_slice %arg6[%dma_wait3A_146] : memref<10000xi32, #tpu.memory_space<vmem>> -> memref<80xi32, #tpu.memory_space<vmem>>
    %dma_wait3A_148 = arith.constant 0 : i32
    %dma_wait3A_149 = arith.constant 0 : i32
    %dma_wait3A_150 = tpu.memref_slice %arg10[%dma_wait3A_148, %dma_wait3A_149] : memref<10000x128xf32, #tpu.memory_space<vmem_shared>> -> memref<10000x128xf32, #tpu.memory_space<vmem_shared>>
    tpu.wait_indirect_dma semaphore(%arg15 : memref<!tpu.dma_semaphore, #tpu.memory_space<semaphore_mem>>) src(%arg8 : memref<80x128xf32, #tpu.memory_space<vmem>>) dst(%dma_wait3A_150 : memref<10000x128xf32, #tpu.memory_space<vmem_shared>>)
    %barrier3A_151 = arith.constant 0 : index
    tpu.barrier barrier_id(%barrier3A_151)
    "tpu.trace_stop"() : () -> ()
    "tpu.trace_start"() <{level = 10 : i32, message = "writeout"}> : () -> ()
    %scan3A_152 = arith.constant 0 : i32
    %scan3A_153 = arith.constant 0 : i32
    %scan3A_154 = arith.constant 5 : i32
    %scan3A_155 = arith.addi %scan3A_153, %scan3A_154 : i32
    %scan3A_156 = arith.constant 1 : i32
    %scan3A_157 = scf.for %scan3A_166 = %scan3A_153 to %scan3A_155 step %scan3A_156 iter_args(%scan3A_167 = %scan3A_152) -> (i32)  : i32 {
      %mul3A_168 = arith.constant 125 : i32
      %mul3A_169 = arith.muli %scan3A_166, %mul3A_168 : i32
      %add3A_170 = arith.addi %mul3A_39, %mul3A_169 : i32
      %dma_start3A_171 = arith.constant 0 : i32
      %dma_start3A_172 = tpu.memref_slice %arg4[%arg0, %add3A_170, %dma_start3A_171] : memref<2x10000x128xf32, #tpu.memory_space<hbm>> -> memref<1x125x128xf32, #tpu.memory_space<hbm>>
      %dma_start3A_173 = tpu.memref_squeeze %dma_start3A_172 : memref<1x125x128xf32, #tpu.memory_space<hbm>> -> memref<125x128xf32, #tpu.memory_space<hbm>>
      %dma_start3A_174 = arith.constant 0 : i32
      %dma_start3A_175 = tpu.memref_slice %arg10[%add3A_170, %dma_start3A_174] : memref<10000x128xf32, #tpu.memory_space<vmem_shared>> -> memref<125x128xf32, #tpu.memory_space<vmem_shared>>
      tpu.enqueue_dma source(%dma_start3A_175 : memref<125x128xf32, #tpu.memory_space<vmem_shared>>) target(%dma_start3A_173 : memref<125x128xf32, #tpu.memory_space<hbm>>) target_semaphore(%arg14 : memref<!tpu.dma_semaphore, #tpu.memory_space<semaphore_mem>>)
      %scan3A_176 = arith.constant 0 : i32
      scf.yield %scan3A_176 : i32
    }
    %scan3A_158 = arith.constant 5 : i32
    %scan3A_159 = arith.constant 0 : i32
    %scan3A_160 = arith.constant 0 : i32
    %scan3A_161 = arith.constant 5 : i32
    %scan3A_162 = arith.addi %scan3A_160, %scan3A_161 : i32
    %scan3A_163 = arith.constant 1 : i32
    %scan3A_164 = scf.for %scan3A_166 = %scan3A_160 to %scan3A_162 step %scan3A_163 iter_args(%scan3A_167 = %scan3A_159) -> (i32)  : i32 {
      %dma_wait3A_168 = arith.constant 0 : i32
      %dma_wait3A_169 = tpu.memref_slice %arg4[%arg0, %mul3A_39, %dma_wait3A_168] : memref<2x10000x128xf32, #tpu.memory_space<hbm>> -> memref<1x125x128xf32, #tpu.memory_space<hbm>>
      %dma_wait3A_170 = tpu.memref_squeeze %dma_wait3A_169 : memref<1x125x128xf32, #tpu.memory_space<hbm>> -> memref<125x128xf32, #tpu.memory_space<hbm>>
      %dma_wait3A_171 = arith.constant 0 : i32
      %dma_wait3A_172 = tpu.memref_slice %arg10[%mul3A_39, %dma_wait3A_171] : memref<10000x128xf32, #tpu.memory_space<vmem_shared>> -> memref<125x128xf32, #tpu.memory_space<vmem_shared>>
      tpu.wait_dma2 semaphore(%arg14 : memref<!tpu.dma_semaphore, #tpu.memory_space<semaphore_mem>>) src(%dma_wait3A_172 : memref<125x128xf32, #tpu.memory_space<vmem_shared>>) dst(%dma_wait3A_170 : memref<125x128xf32, #tpu.memory_space<hbm>>)
      %scan3A_173 = arith.constant 0 : i32
      scf.yield %scan3A_173 : i32
    }
    %scan3A_165 = arith.constant 5 : i32
    "tpu.trace_stop"() : () -> ()
    return
  }
}

module attributes {stable_mosaic.version = 14 : i64} {
  func.func @_combine_body(%arg0: i32, %arg1: memref<2x1000x128xf32, #tpu.memory_space<vmem>>, %arg2: memref<1000x128xf32, #tpu.memory_space<vmem>>) attributes {dimension_semantics = [#tpu.dimension_semantics<arbitrary>], iteration_bounds = array<i64: 10>, scalar_prefetch = 0 : i64, scratch_operands = 0 : i64, tpu.core_type = #tpu.core_type<tc>, window_params = [{transform_indices = @transform_0, window_bounds = array<i64: 2, 1000, 128>}, {transform_indices = @transform_1, window_bounds = array<i64: 1000, 128>}]} {
    %get3A = arith.constant 0 : index
    %get3A_0 = arith.constant 0 : index
    %get3A_1 = arith.constant 0 : index
    %get3A_2 = vector.load %arg1[%get3A, %get3A_0, %get3A_1] : memref<2x1000x128xf32, #tpu.memory_space<vmem>>, vector<1x1000x128xf32>
    %get3A_3 = vector.shape_cast %get3A_2 : vector<1x1000x128xf32> to vector<1000x128xf32>
    %get3A_4 = arith.constant 1 : index
    %get3A_5 = arith.constant 0 : index
    %get3A_6 = arith.constant 0 : index
    %get3A_7 = vector.load %arg1[%get3A_4, %get3A_5, %get3A_6] : memref<2x1000x128xf32, #tpu.memory_space<vmem>>, vector<1x1000x128xf32>
    %get3A_8 = vector.shape_cast %get3A_7 : vector<1x1000x128xf32> to vector<1000x128xf32>
    %add3A = arith.addf %get3A_3, %get3A_8 : vector<1000x128xf32>
    %swap3A = arith.constant 0 : index
    %swap3A_9 = arith.constant 0 : index
    %swap3A_10 = vector.load %arg2[%swap3A, %swap3A_9] : memref<1000x128xf32, #tpu.memory_space<vmem>>, vector<1000x128xf32>
    tpu.vector_store %arg2[%swap3A, %swap3A_9], %add3A {strides = array<i32>} : memref<1000x128xf32, #tpu.memory_space<vmem>>, vector<1000x128xf32>,
    return
  }
  func.func @transform_0(%arg0: i32) -> (i32, i32, i32) {
    %c0_i32 = arith.constant 0 : i32
    %c0_i32_0 = arith.constant 0 : i32
    %c0_i32_1 = arith.constant 0 : i32
    return %c0_i32, %arg0, %c0_i32_0 : i32, i32, i32
  }
  func.func @transform_1(%arg0: i32) -> (i32, i32) {
    %c0_i32 = arith.constant 0 : i32
    %c0_i32_0 = arith.constant 0 : i32
    return %arg0, %c0_i32 : i32, i32
  }
}

</mosaic_0001>

<sc_bundles>
// kernel: kernel.4.cloned.1.call-start
scs
__scs_entry_jumppad:
0x0: {  	(pc) =	sbr.rel $0x88, $3  }
0x1: {  	(tag) =	ssettag $0x0;
	lr =	simm.s32 $0x1  }
0x2: {  	[smem:$0x3F9F] =	sst lr;
	_ =	strace $0xD0000000  }
0x3: {  	_ = 	snop  }
0x4: {  	_ = 	snop  }
0x5: {  	_ = 	snop  }
0x6: {  	_ = 	snop  }
0x7: {  	_ = 	snop  }
__scs_overlays_trampoline_lowered:
0x8: {  	[smem:$0x3FAE] =	sst s0  }
0x9: {  	[smem:$0x3FAF] =	sst s1  }
0xa: {  	[smem:$0x3FB0] =	sst s2  }
0xb: {  	[smem:$0x3FB1] =	sst s3  }
0xc: {  	[smem:$0x3FB2] =	sst s4  }
0xd: {  	[smem:$0x3FB3] =	sst s5  }
0xe: {  	[smem:$0x3FB4] =	sst s6  }
0xf: {  	[smem:$0x3FB5] =	sst s7  }
0x10: {  	[smem:$0x3FB6] =	sst s8  }
0x11: {  	[smem:$0x3FB7] =	sst s9;
	s0 =	simm.s32 @!p0 $0x0  }
0x12: {  	s1 =	sld [smem:$0x3F9D];
	s0 =	simm.s32 @p0 $0x1  }
0x13: {  	[smem:$0x3FB8] =	sst s0;
	s0 =	simm.s32 @!p1 $0x0  }
0x14: {  	s2 =	sld [smem:$0x3F9C];
	s0 =	simm.s32 @p1 $0x1  }
0x15: {  	[smem:$0x3FB9] =	sst s0;
	s0 =	simm.s32 @!p2 $0x0  }
0x16: {  	s3 =	sld [smem:$0x3FDB];
	s0 =	simm.s32 @p2 $0x1  }
0x17: {  	s4 =	simm.s32 $0x1BF5;
	[smem:$0x3FBB] =	sst s0  }
0x18: {  	s0 =	sld [smem:$0x3F9E];
	_ =	swait.ge [sflag:s4], $0x0  }
0x19: {  	s7 =	sld [smem:$0x3F9F]  }
0x1a: {  	s8 =	sadd.s32 $0xFFFFE003, lr  }
0x1b: {  	s9 =	sadd.s32 $0xFFFFFEF7, lr;
	s5 =	simm.s32 $0xFFFFFFFF;
	p2 =	slt.u32 s8, $0xFFFFF086  }
0x1c: {  	p1 =	slt.u32 s9, $0xF7A;
	s5 =	simm.s32 @!p2 $0x0  }
0x1d: {  	s5 =	simm.s32 @p1 $0x1;
	p0 =	seq.s32 s7, s2  }
0x1e: {  	s7 =	smul.u32 @!p0 $0xF7A, s2;
	p2 =	seq.s32 @!p0 s5, $0x0  }
0x1f: {  	s9 =	smul.u32 $0xF7A, s1;
	s8 =	simm.s32 @!p0 $0x1BF5;
	p2 =	por !p2, p0  }
0x20: {  	[sflag:s8] =	ssyncset.s32 @!p0 $0xFFFFF086;
	s6 =	sadd.s32 @!p0 s3, s7;
	s7 =	simm.s32 @!p0 $0x108  }
0x21: {  	s3 =	sadd.s32 s3, s9;
	s6 =	sadd.s32 @!p0 $0x88, s6;
	s7 =	simm.s32 @p2 $0x1082  }
0x22: {  	[simem:s7], [sflag:s8] =	dma.local @!p0 [hbm:s6], $0xF7A  }
0x23: {  	s9 =	sor.u32 $0xD0000000, s2;
	s6 =	simm.s32 $0x108;
	_ =	swait.ge @!p0 [sflag:s8], $0x0  }
0x24: {  	s3 =	sadd.s32 $0x88, s3;
	s6 =	simm.s32 @!p1 $0x1082;
	[sflag:s4] =	ssyncset.s32 $0xFFFFF086  }
0x25: {  	[simem:s6], [sflag:s4] =	dma.local [hbm:s3], $0xF7A  }
0x26: {  	[smem:$0x3F9F] =	sst s1;
	(tag) =	ssettag s2;
	_ =	strace s9  }
0x27: {  	s1 =	sld [smem:$0x3FAF]  }
0x28: {  	s2 =	sld [smem:$0x3FB0]  }
0x29: {  	s4 =	sld [smem:$0x3FB2]  }
0x2a: {  	p0 =	seq.s32 s5, $0x0;
	s5 =	sld [smem:$0x3FB3]  }
0x2b: {  	s6 =	sld [smem:$0x3FB4]  }
0x2c: {  	s7 =	sld [smem:$0x3FB5]  }
0x2d: {  	s3 =	simm.s32 $0x108;
	s8 =	sld [smem:$0x3FB6]  }
0x2e: {  	s3 =	simm.s32 @!p0 $0x1082;
	s9 =	sld [smem:$0x3FB7]  }
0x2f: {  	lr =	sadd.s32 s0, s3;
	s0 =	sld [smem:$0x3FAE]  }
0x30: {  	s3 =	sld [smem:$0x3FB1]  }
0x31: {  	[smem:$0x3FBA] =	sst s10  }
0x32: {  	s10 =	sld [smem:$0x3FB8];
	_ =	sdelay $0x3  }
0x33: {  	p0 =	seq.s32 s10, $0x1;
	s10 =	sld [smem:$0x3FBA];
	_ =	sdelay $0x3  }
0x34: {  	[smem:$0x3FBA] =	sst s10  }
0x35: {  	s10 =	sld [smem:$0x3FB9];
	_ =	sdelay $0x3  }
0x36: {  	p1 =	seq.s32 s10, $0x1;
	s10 =	sld [smem:$0x3FBA];
	_ =	sdelay $0x3  }
0x37: {  	[smem:$0x3FBA] =	sst s10  }
0x38: {  	s10 =	sld [smem:$0x3FBB]  }
0x39: {  	_ = 	snop;
	(pc) =	sbr.ind lr, $3  }
0x3a: {  	_ = 	snop  }
0x3b: {  	_ = 	snop  }
0x3c: {  	p2 =	seq.s32 s10, $0x1;
	s10 =	sld [smem:$0x3FBA]  }
0x3d: {  	_ =	shalt  }
0x3e: {  	_ =	shalt  }
0x3f: {  	_ =	shalt  }
0x40: {  	_ =	shalt  }
0x41: {  	_ =	shalt  }
0x42: {  	_ =	shalt  }
0x43: {  	_ =	shalt  }
0x44: {  	_ =	shalt  }
0x45: {  	_ =	shalt  }
0x46: {  	_ =	shalt  }
0x47: {  	_ =	shalt  }
0x48: {  	_ =	shalt  }
0x49: {  	_ =	shalt  }
0x4a: {  	_ =	shalt  }
0x4b: {  	_ =	shalt  }
0x4c: {  	_ =	shalt  }
0x4d: {  	_ =	shalt  }
0x4e: {  	_ =	shalt  }
0x4f: {  	_ =	shalt  }
0x50: {  	_ =	shalt  }
0x51: {  	_ =	shalt  }
0x52: {  	_ =	shalt  }
0x53: {  	_ =	shalt  }
0x54: {  	_ =	shalt  }
0x55: {  	_ =	shalt  }
0x56: {  	_ =	shalt  }
0x57: {  	_ =	shalt  }
0x58: {  	_ =	shalt  }
0x59: {  	_ =	shalt  }
0x5a: {  	_ =	shalt  }
0x5b: {  	_ =	shalt  }
0x5c: {  	_ =	shalt  }
0x5d: {  	_ =	shalt  }
0x5e: {  	_ =	shalt  }
0x5f: {  	_ =	shalt  }
0x60: {  	_ =	shalt  }
0x61: {  	_ =	shalt  }
0x62: {  	_ =	shalt  }
0x63: {  	_ =	shalt  }
0x64: {  	_ =	shalt  }
0x65: {  	_ =	shalt  }
0x66: {  	_ =	shalt  }
0x67: {  	_ =	shalt  }
0x68: {  	_ =	shalt  }
0x69: {  	_ =	shalt  }
0x6a: {  	_ =	shalt  }
0x6b: {  	_ =	shalt  }
0x6c: {  	_ =	shalt  }
0x6d: {  	_ =	shalt  }
0x6e: {  	_ =	shalt  }
0x6f: {  	_ =	shalt  }
0x70: {  	_ =	shalt  }
0x71: {  	_ =	shalt  }
0x72: {  	_ =	shalt  }
0x73: {  	_ =	shalt  }
0x74: {  	_ =	shalt  }
0x75: {  	_ =	shalt  }
0x76: {  	_ =	shalt  }
0x77: {  	_ =	shalt  }
0x78: {  	_ =	shalt  }
0x79: {  	_ =	shalt  }
0x7a: {  	_ =	shalt  }
0x7b: {  	_ =	shalt  }
0x7c: {  	_ =	shalt  }
0x7d: {  	_ =	shalt  }
0x7e: {  	_ =	shalt  }
0x7f: {  	_ =	shalt  }
0x80: {  	_ =	shalt  }
0x81: {  	_ =	shalt  }
0x82: {  	_ =	shalt  }
0x83: {  	_ =	shalt  }
0x84: {  	_ =	shalt  }
0x85: {  	_ =	shalt  }
0x86: {  	_ =	shalt  }
0x87: {  	_ =	shalt  }
.Lfunc_end0:
.L_simem_size_0:
called_computation_lowered:
.L_overlay_start_0:
0x88: {  	s2 =	sld [smem:$0x3FD9]  }
0x89: {  	s3 =	sld [smem:$0x3FFE];
	_ =	sdelay $0x1  }
0x8a: {  	s1 =	srdreg.scid  }
0x8b: {  	s0 =	sand.u32 $0x1, s1  }
0x8c: {  	s17 =	sshll.u32 s0, $0xA;
	s2 =	sadd.s32 s3, s2  }
0x8d: {  	s2 =	sadd.s32 s2, s17  }
0x8e: {  	[smem:$0x3FC6] =	sst s2  }
0x8f: {  	_ = 	snop  }
0x90: {  	s2 =	sld [smem:$0x3FC9]  }
0x91: {  	s18 =	sld [smem:$0x3FD0];
	(tm) =	ssettm $0x1  }
0x92: {  	s4 =	sld [smem:$0x3FFB];
	_ =	sdelay $0x3  }
0x93: {  	_ =	strace s4  }
0x94: {  	s4 =	sld [smem:$0x3FFC];
	_ =	sdelay $0x3  }
0x95: {  	_ =	strace s4  }
0x96: {  	s4 =	sld [smem:$0x3FFD];
	_ =	sdelay $0x3  }
0x97: {  	_ =	strace s4  }
0x98: {  	_ =	strace $0x8FFFFFFF  }
0x99: {  	s19 =	sld [smem:$0x3FDB];
	_ =	sdelay $0x1  }
0x9a: {  	s5 =	simm.s32 $_scs_section_size  }
0x9b: {  	s6 =	simm.s32 $_size__tile_overlayer_lowered;
	s7 =	simm.s32 $_tile_overlayer_lowered  }
0x9c: {  	s22 =	simm.s32 $0x1BFF;
	s21 =	sshll.u32 s7, $0x1;
	s4 =	sadd.s32 s5, s19  }
0x9d: {  	s8 =	simm.s32 $0x0;
	s20 =	sshll.u32 s6, $0x1;
	s6 =	sadd.s32 s21, s4  }
0x9e: {  	[timem:s8], [sflag:s22] =	dma.local [hbm:s6], s20  }
0x9f: {  	_ =	swait.ge [sflag:s22], s20  }
0xa0: {  	s5 =	ssub.s32 $0x0, s20;
	[sflag:s22] =	ssyncset.done $0x0  }
0xa1: {  	[sflag:s22] =	ssyncadd.s32 s5;
	_ =	sdelay $0x1  }
0xa2: {  	s23 =	simm.s32 $0x1B8B  }
0xa3: {  	_ =	swait.ge [sflag:s23], $0x1  }
0xa4: {  	[sflag:s23] =	ssyncset.done $0x0  }
0xa5: {  	s25 =	simm.s32 $0x1B8E;
	s24 =	sld [smem:$0x3FFE];
	[sflag:s23] =	ssyncadd.s32 $0xFFFFFFFF  }
0xa6: {  	s26 =	simm.s32 $execute0_lowered;
	[smem:$0x3FD2] =	sst s25  }
0xa7: {  	s6 =	sshll.u32 s26, $0x1;
	_ =	strace $0x80000046;
	[dreg:$0x1] =	wrdreg $0xFFFFFFFF  }
0xa8: {  	s28 =	simm.s32 $_size_execute0_lowered;
	s4 =	sadd.s32 s4, s6;
	[dreg:$0x0] =	wrdreg $0x0  }
0xa9: {  	s6 =	sshll.u32 s28, $0x1;
	[dreg:$0x2] =	wrdreg s4  }
0xaa: {  	[dreg:$0x3] =	wrdreg s6  }
0xab: {  	[dreg:$0x4] =	wrdreg $0xC0  }
0xac: {  	_ =	task [dreg:s8], $0x5FFFF  }
0xad: {  	[dreg:$0x1] =	wrdreg $0xFFFFFFFF  }
0xae: {  	[dreg:$0x0] =	wrdreg $0x60  }
0xaf: {  	[dreg:$0x2] =	wrdreg s2  }
0xb0: {  	[dreg:$0x3] =	wrdreg s18  }
0xb1: {  	[dreg:$0x4] =	wrdreg s24  }
0xb2: {  	[dreg:$0x5] =	wrdreg $0xC6200  }
0xb3: {  	[dreg:$0x6] =	wrdreg $0x9  }
0xb4: {  	_ =	task.clear_ibuf [dreg:s8], $0x7FFFF;
	_ =	strace $0x90000046  }
0xb5: {  	s29 =	simm.s32 $0x9;
	_ =	strace $0x8000004C  }
0xb6: {  	_ =	swait.ge [sflag:s29], $0x1  }
0xb7: {  	[sflag:s29] =	ssyncadd.s32 $0xFFFFFFFF  }
0xb8: {  	_ =	strace $0x9000004C  }
0xb9: {  	_ =	sfence  }
0xba: {  	s30 =	sld [smem:$0x0];
	_ =	sdelay $0x2  }
0xbb: {  	s31 =	sshll.u32 s1, $0xD;
	s1 =	sshrl.u32 s1, $0x2  }
0xbc: {  	s3 =	sand.u32 $0x4000, s31;
	s1 =	sadd.s32 s1, s30  }
0xbd: {  	s0 =	sor.u32 s3, s0;
	s1 =	sshll.u32 s1, $0x11  }
0xbe: {  	s0 =	sor.u32 s1, s0  }
0xbf: {  	s0 =	sadd.s32 $0x8F2B, s0  }
0xc0: {  	[sflag:s0] =	ssyncadd.remote.s32 $0x1  }
0xc1: {  	_ =	sfence.sel $0xFFFF  }
0xc2: {  	[dreg:$0x0] =	wrdreg $0xFFFFFFFF;
	(pc) =	sbr.abs _section_cstart, $3  }
0xc3: {  	[dreg:$0x1] =	wrdreg $0xFFFFFFFF  }
0xc4: {  	_ =	task.clear_ibuf [dreg:s8], $0x2FFFF;
	_ =	strace $0x9FFFFFFF  }
0xc5: {  	(tm) =	ssettm $0x7FFFFFFF  }
tec
execute0_lowered:
.L_overlay_start_1:
0x0: {  	(tag) =	ssettag $0x1  }
0x1: {  	s1 =	rddreg [dreg:$0x0]  }
0x2: {  	s0 =	rddreg [dreg:$0x1]  }
0x3: {  	s2 =	rddreg [dreg:$0x2];
	s4 =	srdreg.scid  }
0x4: {  	s9 =	stileid.u32;
	s3 =	rddreg [dreg:$0x3];
	s6 =	simm.s32 $0x0  }
0x5: {  	s4 =	sand.u32 $0x1, s4;
	s5 =	sshll.u32 s9, $0x1;
	s7 =	smul.u32 $0x4E200, s9  }
0x6: {  	[smem:$0x7FF] =	sst s6;
	s2 =	sadd.s32 $0x600, s2;
	s11 =	smul.u32 $0x13880, s9  }
0x7: {  	s5 =	sor.u32 s4, s5;
	s30 =	ssub.s32 $0x2, s4;
	s4 =	smul.u32 $0x138800, s4  }
0x8: {  	_ =	strace $0x80000047;
	s5 =	smul.u32 $0x2710, s5;
	s8 =	sshrl.u32 s30, $0x1  }
0x9: {  	s10 =	sshrl.u32 s7, $0x2;
	s16 =	sadd.s32 $0x3E80, s11;
	s20 =	sadd.s32 $0x7D00, s11  }
0xa: {  	s9 =	sadd.s32 $0xBB80, s11;
	s6 =	ssub.s32 s30, s8;
	s7 =	sadd.s32 s10, s3  }
0xb: {  	s21 =	sadd.s32 s4, s11;
	s10 =	sadd.s32 $0xFA00, s11;
	s12 =	smax.u32 s6, $0x1  }
0xc: {  	s22 =	sadd.s32 s4, s20;
	s13 =	sadd.s32 $0xC80, s7;
	[dreg:$0x7] =	wrdreg s12  }
0xd: {  	s23 =	sadd.s32 s4, s9;
	s14 =	sadd.s32 $0x1900, s7;
	[dreg:$0x8] =	wrdreg s13  }
0xe: {  	s5 =	sshrl.u32 s5, $0x3;
	s15 =	sadd.s32 $0x2580, s7;
	[dreg:$0x9] =	wrdreg s14  }
0xf: {  	s17 =	sadd.s32 $0x3200, s7;
	s18 =	sadd.s32 $0x4B00, s7;
	[dreg:$0xa] =	wrdreg s15  }
0x10: {  	s19 =	sadd.s32 $0x5780, s7;
	s8 =	sshrl.u32 s21, $0x3;
	[dreg:$0xb] =	wrdreg s17  }
0x11: {  	s25 =	sadd.s32 $0x6400, s7;
	s26 =	sadd.s32 $0x7080, s7;
	[dreg:$0xc] =	wrdreg s18  }
0x12: {  	s28 =	sadd.s32 $0x8980, s7;
	s29 =	sadd.s32 $0x9600, s7;
	[dreg:$0xd] =	wrdreg s19  }
0x13: {  	s30 =	sadd.s32 $0xA280, s7;
	s31 =	sadd.s32 $0xAF00, s7;
	[dreg:$0x13] =	wrdreg s25  }
0x14: {  	s6 =	sadd.s32 $0xED80, s7;
	s21 =	simm.s32 $0x5;
	[dreg:$0x15] =	wrdreg s26  }
0x15: {  	s5 =	sadd.s32 s0, s5;
	s13 =	sadd.s32 s16, s3;
	[dreg:$0x16] =	wrdreg s28  }
0x16: {  	s8 =	sadd.s32 s2, s8;
	s0 =	sadd.s32 s11, s3;
	[dreg:$0x17] =	wrdreg s29  }
0x17: {  	[dreg:$0x18] =	wrdreg s30;
	s11 =	sadd.s32 $0x12C00, s7;
	s12 =	simm.s32 $0x2710  }
0x18: {  	s14 =	simm.s32 $0x2;
	s15 =	simm.s32 $0x50;
	s17 =	simm.s32 $0x7620  }
0x19: {  	s18 =	simm.s32 $0x9E20;
	s19 =	simm.s32 $0x4;
	s25 =	simm.s32 $0x6  }
0x1a: {  	s26 =	simm.s32 $0x0;
	[dreg:$0x5] =	wrdreg s5;
	s5 =	sadd.s32 $0x9C40, s5  }
0x1b: {  	[dreg:$0xe] =	wrdreg s8;
	s8 =	sshrl.u32 s23, $0x3;
	s23 =	sadd.s32 s9, s3  }
0x1c: {  	s0 =	sshrl.u32 s0, $0x3;
	s9 =	sadd.s32 $0x11300, s7;
	[dreg:$0x6] =	wrdreg s5  }
0x1d: {  	s5 =	sadd.s32 s4, s16;
	s4 =	sadd.s32 s4, s10;
	s24 =	sadd.s32 s2, s8  }
0x1e: {  	[dreg:$0x14] =	wrdreg s0;
	s0 =	sadd.s32 $0xD480, s7;
	s8 =	sadd.s32 $0x10680, s7  }
0x1f: {  	s16 =	simm.s32 $0x4E20;
	s5 =	sshrl.u32 s5, $0x3;
	[dreg:$0x11] =	wrdreg s24  }
0x20: {  	s4 =	sshrl.u32 s4, $0x3;
	s24 =	sadd.s32 s10, s3;
	s5 =	sadd.s32 s2, s5  }
0x21: {  	s10 =	sadd.s32 $0x11F80, s7;
	[dreg:$0xf] =	wrdreg s5;
	s5 =	sshrl.u32 s22, $0x3  }
0x22: {  	s22 =	sadd.s32 s20, s3;
	s20 =	simm.s32 $0x3;
	s5 =	sadd.s32 s2, s5  }
0x23: {  	s2 =	sadd.s32 s2, s4;
	s4 =	sadd.s32 $0xE100, s7;
	[dreg:$0x10] =	wrdreg s5  }
0x24: {  	v0 =	vimm.f32 $0.0e+00;
	[dreg:$0x12] =	wrdreg s2;
	s2 =	sadd.s32 $0xC800, s7;
	s5 =	simm.s32 $0x1  }
.LBB2_1:
0x25: {  	_ =	strace $0x80000048  }
0x26: {  	s28 =	simm.s32 $0x0;
	s29 =	rddreg [dreg:$0x5]  }
0x27: {  	[tilespmem:s28], [sflag:$0x1] =	stream.linear.gather [hbm4b:s29+s28], $0x2710, $0x200038;
	[tilespmem:$0x1FEA0] =	vst v63  }
0x28: {  	s29 =	rddreg [dreg:$0x6]  }
0x29: {  	[tilespmem:s12], [sflag:$0x2] =	stream.linear.gather [hbm4b:s29+s28], $0x2710, $0x200038;
	[tilespmem:$0x1FEA0] =	vst v63  }
0x2a: {  	_ =	strace $0x90000048  }
0x2b: {  	s28 =	simm.s32 $0x70;
	s29 =	simm.s32 $0x3C0;
	_ =	strace $0x80000049  }
.LBB2_2:
0x2c: {  	p0 =	sne.s32 s29, $0x31C0;
	[tilespmem:s28+$0x9E20] =	vst v0  }
0x2d: {  	[tilespmem:s28+$0x9DB0] =	vst v0  }
0x2e: {  	[tilespmem:s28+$0x9DC0] =	vst v0  }
.Ltmp0:
0x2f: {  	[tilespmem:s28+$0x9DD0] =	vst v0;
	(pc) =	sbr.rel @p0 .LBB2_2-.Ltmp0, $4  }
0x30: {  	[tilespmem:s28+$0x9DE0] =	vst v0  }
0x31: {  	[tilespmem:s28+$0x9DF0] =	vst v0  }
0x32: {  	[tilespmem:s28+$0x9E00] =	vst v0  }
0x33: {  	[tilespmem:s28+$0x9E10] =	vst v0;
	s28 =	sshra.s32 s29, $0x2;
	s29 =	sadd.s32 $0x200, s29  }
0x34: {  	[tilespmem:s28+$0x9E20] =	vst v0  }
0x35: {  	[tilespmem:s28+$0x9DB0] =	vst v0  }
0x36: {  	[tilespmem:s28+$0x9DC0] =	vst v0  }
0x37: {  	[tilespmem:s28+$0x9DD0] =	vst v0  }
0x38: {  	[tilespmem:s28+$0x9DE0] =	vst v0  }
0x39: {  	[tilespmem:s28+$0x9DF0] =	vst v0  }
0x3a: {  	[tilespmem:s28+$0x9E00] =	vst v0  }
0x3b: {  	[tilespmem:s28+$0x9E10] =	vst v0  }
0x3c: {  	_ =	swait.ge [sflag:s5], $0x2710  }
0x3d: {  	[sflag:s5] =	ssyncset.done $0x0  }
0x3e: {  	[sflag:s5] =	ssyncadd.s32 $0xFFFFD8F0  }
0x3f: {  	_ =	swait.ge [sflag:s14], $0x2710  }
0x40: {  	[sflag:s14] =	ssyncset.done $0x0  }
0x41: {  	s28 =	simm.s32 $0x0;
	[sflag:s14] =	ssyncadd.s32 $0xFFFFD8F0  }
0x42: {  	[tilespmem:s16], [sflag:$0x1] =	stream.indirect.gather [hbm4b:s1+s15], $0x80, s28, s15, $0x2000b8;
	[tilespmem:$0x1FEA0] =	vst v63  }
0x43: {  	_ = 	snop  }
0x44: {  	[tilespmem:s17], [sflag:$0x2] =	stream.indirect.gather [hbm4b:s1+s15], $0x80, s15, s15, $0x2000b8;
	[tilespmem:$0x1FEA0] =	vst v63  }
0x45: {  	_ = 	snop  }
0x46: {  	[spmem:s7] =	stream.linear.scatter [tilespmem:s18], [sflag:$0x4], $0xC80, $0x200038;
	[tilespmem:$0x1FEA0] =	vst v63  }
0x47: {  	s28 =	rddreg [dreg:$0x8]  }
0x48: {  	[spmem:s28] =	stream.linear.scatter [tilespmem:s18], [sflag:$0x4], $0xC80, $0x200038;
	[tilespmem:$0x1FEA0] =	vst v63  }
0x49: {  	s28 =	rddreg [dreg:$0x9]  }
0x4a: {  	[spmem:s28] =	stream.linear.scatter [tilespmem:s18], [sflag:$0x4], $0xC80, $0x200038;
	[tilespmem:$0x1FEA0] =	vst v63  }
0x4b: {  	s28 =	rddreg [dreg:$0xa]  }
0x4c: {  	[spmem:s28] =	stream.linear.scatter [tilespmem:s18], [sflag:$0x4], $0xC80, $0x200038;
	[tilespmem:$0x1FEA0] =	vst v63  }
0x4d: {  	s28 =	rddreg [dreg:$0xb]  }
0x4e: {  	[spmem:s28] =	stream.linear.scatter [tilespmem:s18], [sflag:$0x4], $0xC80, $0x200038;
	[tilespmem:$0x1FEA0] =	vst v63  }
0x4f: {  	_ = 	snop  }
0x50: {  	[spmem:s13] =	stream.linear.scatter [tilespmem:s18], [sflag:$0x4], $0xC80, $0x200038;
	[tilespmem:$0x1FEA0] =	vst v63  }
0x51: {  	s28 =	rddreg [dreg:$0xc]  }
0x52: {  	[spmem:s28] =	stream.linear.scatter [tilespmem:s18], [sflag:$0x4], $0xC80, $0x200038;
	[tilespmem:$0x1FEA0] =	vst v63  }
0x53: {  	s28 =	rddreg [dreg:$0xd]  }
0x54: {  	[spmem:s28] =	stream.linear.scatter [tilespmem:s18], [sflag:$0x4], $0xC80, $0x200038;
	[tilespmem:$0x1FEA0] =	vst v63  }
0x55: {  	s28 =	rddreg [dreg:$0x13]  }
0x56: {  	[spmem:s28] =	stream.linear.scatter [tilespmem:s18], [sflag:$0x4], $0xC80, $0x200038;
	[tilespmem:$0x1FEA0] =	vst v63  }
0x57: {  	s28 =	rddreg [dreg:$0x15]  }
0x58: {  	[spmem:s28] =	stream.linear.scatter [tilespmem:s18], [sflag:$0x4], $0xC80, $0x200038;
	[tilespmem:$0x1FEA0] =	vst v63  }
0x59: {  	_ = 	snop  }
0x5a: {  	[spmem:s22] =	stream.linear.scatter [tilespmem:s18], [sflag:$0x4], $0xC80, $0x200038;
	[tilespmem:$0x1FEA0] =	vst v63  }
0x5b: {  	s28 =	rddreg [dreg:$0x16]  }
0x5c: {  	[spmem:s28] =	stream.linear.scatter [tilespmem:s18], [sflag:$0x4], $0xC80, $0x200038;
	[tilespmem:$0x1FEA0] =	vst v63  }
0x5d: {  	s28 =	rddreg [dreg:$0x17]  }
0x5e: {  	[spmem:s28] =	stream.linear.scatter [tilespmem:s18], [sflag:$0x4], $0xC80, $0x200038;
	[tilespmem:$0x1FEA0] =	vst v63  }
0x5f: {  	s28 =	rddreg [dreg:$0x18]  }
0x60: {  	[spmem:s28] =	stream.linear.scatter [tilespmem:s18], [sflag:$0x4], $0xC80, $0x200038;
	[tilespmem:$0x1FEA0] =	vst v63  }
0x61: {  	_ = 	snop  }
0x62: {  	[spmem:s31] =	stream.linear.scatter [tilespmem:s18], [sflag:$0x4], $0xC80, $0x200038;
	[tilespmem:$0x1FEA0] =	vst v63  }
0x63: {  	_ = 	snop  }
0x64: {  	[spmem:s23] =	stream.linear.scatter [tilespmem:s18], [sflag:$0x4], $0xC80, $0x200038;
	[tilespmem:$0x1FEA0] =	vst v63  }
0x65: {  	_ = 	snop  }
0x66: {  	[spmem:s2] =	stream.linear.scatter [tilespmem:s18], [sflag:$0x4], $0xC80, $0x200038;
	[tilespmem:$0x1FEA0] =	vst v63  }
0x67: {  	_ = 	snop  }
0x68: {  	[spmem:s0] =	stream.linear.scatter [tilespmem:s18], [sflag:$0x4], $0xC80, $0x200038;
	[tilespmem:$0x1FEA0] =	vst v63  }
0x69: {  	_ = 	snop  }
0x6a: {  	[spmem:s4] =	stream.linear.scatter [tilespmem:s18], [sflag:$0x4], $0xC80, $0x200038;
	[tilespmem:$0x1FEA0] =	vst v63  }
0x6b: {  	_ = 	snop  }
0x6c: {  	[spmem:s6] =	stream.linear.scatter [tilespmem:s18], [sflag:$0x4], $0xC80, $0x200038;
	[tilespmem:$0x1FEA0] =	vst v63  }
0x6d: {  	_ = 	snop  }
0x6e: {  	[spmem:s24] =	stream.linear.scatter [tilespmem:s18], [sflag:$0x4], $0xC80, $0x200038;
	[tilespmem:$0x1FEA0] =	vst v63  }
0x6f: {  	_ = 	snop  }
0x70: {  	[spmem:s8] =	stream.linear.scatter [tilespmem:s18], [sflag:$0x4], $0xC80, $0x200038;
	[tilespmem:$0x1FEA0] =	vst v63  }
0x71: {  	_ = 	snop  }
0x72: {  	[spmem:s9] =	stream.linear.scatter [tilespmem:s18], [sflag:$0x4], $0xC80, $0x200038;
	[tilespmem:$0x1FEA0] =	vst v63  }
0x73: {  	_ = 	snop  }
0x74: {  	[spmem:s10] =	stream.linear.scatter [tilespmem:s18], [sflag:$0x4], $0xC80, $0x200038;
	[tilespmem:$0x1FEA0] =	vst v63  }
0x75: {  	_ = 	snop  }
0x76: {  	[spmem:s11] =	stream.linear.scatter [tilespmem:s18], [sflag:$0x4], $0xC80, $0x200038;
	[tilespmem:$0x1FEA0] =	vst v63  }
0x77: {  	_ =	swait.ge [sflag:s19], $0xC80  }
0x78: {  	[sflag:s19] =	ssyncset.done $0x0  }
0x79: {  	[sflag:s19] =	ssyncadd.s32 $0xFFFFF380  }
0x7a: {  	_ =	swait.ge [sflag:s19], $0xC80  }
0x7b: {  	[sflag:s19] =	ssyncset.done $0x0  }
0x7c: {  	[sflag:s19] =	ssyncadd.s32 $0xFFFFF380  }
0x7d: {  	_ =	swait.ge [sflag:s19], $0xC80  }
0x7e: {  	[sflag:s19] =	ssyncset.done $0x0  }
0x7f: {  	[sflag:s19] =	ssyncadd.s32 $0xFFFFF380  }
0x80: {  	_ =	swait.ge [sflag:s19], $0xC80  }
0x81: {  	[sflag:s19] =	ssyncset.done $0x0  }
0x82: {  	[sflag:s19] =	ssyncadd.s32 $0xFFFFF380  }
0x83: {  	_ =	swait.ge [sflag:s19], $0xC80  }
0x84: {  	[sflag:s19] =	ssyncset.done $0x0  }
0x85: {  	[sflag:s19] =	ssyncadd.s32 $0xFFFFF380  }
0x86: {  	_ =	swait.ge [sflag:s19], $0xC80  }
0x87: {  	[sflag:s19] =	ssyncset.done $0x0  }
0x88: {  	[sflag:s19] =	ssyncadd.s32 $0xFFFFF380  }
0x89: {  	_ =	swait.ge [sflag:s19], $0xC80  }
0x8a: {  	[sflag:s19] =	ssyncset.done $0x0  }
0x8b: {  	[sflag:s19] =	ssyncadd.s32 $0xFFFFF380  }
0x8c: {  	_ =	swait.ge [sflag:s19], $0xC80  }
0x8d: {  	[sflag:s19] =	ssyncset.done $0x0  }
0x8e: {  	[sflag:s19] =	ssyncadd.s32 $0xFFFFF380  }
0x8f: {  	_ =	swait.ge [sflag:s19], $0xC80  }
0x90: {  	[sflag:s19] =	ssyncset.done $0x0  }
0x91: {  	[sflag:s19] =	ssyncadd.s32 $0xFFFFF380  }
0x92: {  	_ =	swait.ge [sflag:s19], $0xC80  }
0x93: {  	[sflag:s19] =	ssyncset.done $0x0  }
0x94: {  	[sflag:s19] =	ssyncadd.s32 $0xFFFFF380  }
0x95: {  	_ =	swait.ge [sflag:s19], $0xC80  }
0x96: {  	[sflag:s19] =	ssyncset.done $0x0  }
0x97: {  	[sflag:s19] =	ssyncadd.s32 $0xFFFFF380  }
0x98: {  	_ =	swait.ge [sflag:s19], $0xC80  }
0x99: {  	[sflag:s19] =	ssyncset.done $0x0  }
0x9a: {  	[sflag:s19] =	ssyncadd.s32 $0xFFFFF380  }
0x9b: {  	_ =	swait.ge [sflag:s19], $0xC80  }
0x9c: {  	[sflag:s19] =	ssyncset.done $0x0  }
0x9d: {  	[sflag:s19] =	ssyncadd.s32 $0xFFFFF380  }
0x9e: {  	_ =	swait.ge [sflag:s19], $0xC80  }
0x9f: {  	[sflag:s19] =	ssyncset.done $0x0  }
0xa0: {  	[sflag:s19] =	ssyncadd.s32 $0xFFFFF380  }
0xa1: {  	_ =	swait.ge [sflag:s19], $0xC80  }
0xa2: {  	[sflag:s19] =	ssyncset.done $0x0  }
0xa3: {  	[sflag:s19] =	ssyncadd.s32 $0xFFFFF380  }
0xa4: {  	_ =	swait.ge [sflag:s19], $0xC80  }
0xa5: {  	[sflag:s19] =	ssyncset.done $0x0  }
0xa6: {  	[sflag:s19] =	ssyncadd.s32 $0xFFFFF380  }
0xa7: {  	_ =	swait.ge [sflag:s19], $0xC80  }
0xa8: {  	[sflag:s19] =	ssyncset.done $0x0  }
0xa9: {  	[sflag:s19] =	ssyncadd.s32 $0xFFFFF380  }
0xaa: {  	_ =	swait.ge [sflag:s19], $0xC80  }
0xab: {  	[sflag:s19] =	ssyncset.done $0x0  }
0xac: {  	[sflag:s19] =	ssyncadd.s32 $0xFFFFF380  }
0xad: {  	_ =	swait.ge [sflag:s19], $0xC80  }
0xae: {  	[sflag:s19] =	ssyncset.done $0x0  }
0xaf: {  	[sflag:s19] =	ssyncadd.s32 $0xFFFFF380  }
0xb0: {  	_ =	swait.ge [sflag:s19], $0xC80  }
0xb1: {  	[sflag:s19] =	ssyncset.done $0x0  }
0xb2: {  	[sflag:s19] =	ssyncadd.s32 $0xFFFFF380  }
0xb3: {  	_ =	swait.ge [sflag:s19], $0xC80  }
0xb4: {  	[sflag:s19] =	ssyncset.done $0x0  }
0xb5: {  	[sflag:s19] =	ssyncadd.s32 $0xFFFFF380  }
0xb6: {  	_ =	swait.ge [sflag:s19], $0xC80  }
0xb7: {  	[sflag:s19] =	ssyncset.done $0x0  }
0xb8: {  	[sflag:s19] =	ssyncadd.s32 $0xFFFFF380  }
0xb9: {  	_ =	swait.ge [sflag:s19], $0xC80  }
0xba: {  	[sflag:s19] =	ssyncset.done $0x0  }
0xbb: {  	[sflag:s19] =	ssyncadd.s32 $0xFFFFF380  }
0xbc: {  	_ =	swait.ge [sflag:s19], $0xC80  }
0xbd: {  	[sflag:s19] =	ssyncset.done $0x0  }
0xbe: {  	[sflag:s19] =	ssyncadd.s32 $0xFFFFF380  }
0xbf: {  	_ =	swait.ge [sflag:s19], $0xC80  }
0xc0: {  	[sflag:s19] =	ssyncset.done $0x0  }
0xc1: {  	[sflag:s19] =	ssyncadd.s32 $0xFFFFF380  }
0xc2: {  	[bflag:$0x0] =	sbarrier.arrive $0xFFFF  }
0xc3: {  	_ =	strace $0x90000049  }
0xc4: {  	_ =	strace $0x8000004A  }
0xc5: {  	_ =	swait.ge [sflag:s5], $0x2800  }
0xc6: {  	[sflag:s5] =	ssyncset.done $0x0  }
0xc7: {  	[sflag:s5] =	ssyncadd.s32 $0xFFFFD800  }
0xc8: {  	[spmem:s3] =	stream.indirect.scatter.add.f32 [tilespmem:s16], [sflag:$0x4], $0x80, s12, s15, $0x2000b8;
	[tilespmem:$0x1FEA0] =	vst v63  }
0xc9: {  	s28 =	simm.s32 $0xA0  }
0xca: {  	[tilespmem:s18], [sflag:$0x3] =	stream.indirect.gather [hbm4b:s1+s15], $0x80, s28, s15, $0x2000b8;
	[tilespmem:$0x1FEA0] =	vst v63  }
0xcb: {  	_ =	swait.ge [sflag:s14], $0x2800  }
0xcc: {  	[sflag:s14] =	ssyncset.done $0x0  }
0xcd: {  	s28 =	simm.s32 $0x2760;
	[sflag:s14] =	ssyncadd.s32 $0xFFFFD800  }
0xce: {  	[spmem:s3] =	stream.indirect.scatter.add.f32 [tilespmem:s17], [sflag:$0x5], $0x80, s28, s15, $0x2000b8;
	[tilespmem:$0x1FEA0] =	vst v63  }
0xcf: {  	_ =	swait.ge [sflag:s19], $0x2800  }
0xd0: {  	[sflag:s19] =	ssyncset.done $0x0  }
0xd1: {  	s28 =	simm.s32 $0xF0;
	[sflag:s19] =	ssyncadd.s32 $0xFFFFD800  }
0xd2: {  	[tilespmem:s16], [sflag:$0x1] =	stream.indirect.gather [hbm4b:s1+s15], $0x80, s28, s15, $0x2000b8;
	[tilespmem:$0x1FEA0] =	vst v63  }
0xd3: {  	_ =	swait.ge [sflag:s20], $0x2800  }
0xd4: {  	[sflag:s20] =	ssyncset.done $0x0  }
0xd5: {  	s28 =	simm.s32 $0x27B0;
	[sflag:s20] =	ssyncadd.s32 $0xFFFFD800  }
0xd6: {  	[spmem:s3] =	stream.indirect.scatter.add.f32 [tilespmem:s18], [sflag:$0x6], $0x80, s28, s15, $0x2000b8;
	[tilespmem:$0x1FEA0] =	vst v63  }
0xd7: {  	_ =	swait.ge [sflag:s21], $0x2800  }
0xd8: {  	[sflag:s21] =	ssyncset.done $0x0  }
0xd9: {  	s28 =	simm.s32 $0x140;
	[sflag:s21] =	ssyncadd.s32 $0xFFFFD800  }
0xda: {  	[tilespmem:s17], [sflag:$0x2] =	stream.indirect.gather [hbm4b:s1+s15], $0x80, s28, s15, $0x2000b8;
	[tilespmem:$0x1FEA0] =	vst v63  }
0xdb: {  	_ =	swait.ge [sflag:s5], $0x2800  }
0xdc: {  	[sflag:s5] =	ssyncset.done $0x0  }
0xdd: {  	s28 =	simm.s32 $0x2800;
	[sflag:s5] =	ssyncadd.s32 $0xFFFFD800  }
0xde: {  	[spmem:s3] =	stream.indirect.scatter.add.f32 [tilespmem:s16], [sflag:$0x4], $0x80, s28, s15, $0x2000b8;
	[tilespmem:$0x1FEA0] =	vst v63  }
0xdf: {  	_ =	swait.ge [sflag:s25], $0x2800  }
0xe0: {  	[sflag:s25] =	ssyncset.done $0x0  }
0xe1: {  	s28 =	simm.s32 $0x190;
	[sflag:s25] =	ssyncadd.s32 $0xFFFFD800  }
0xe2: {  	[tilespmem:s18], [sflag:$0x3] =	stream.indirect.gather [hbm4b:s1+s15], $0x80, s28, s15, $0x2000b8;
	[tilespmem:$0x1FEA0] =	vst v63  }
0xe3: {  	_ =	swait.ge [sflag:s14], $0x2800  }
0xe4: {  	[sflag:s14] =	ssyncset.done $0x0  }
0xe5: {  	s28 =	simm.s32 $0x2850;
	[sflag:s14] =	ssyncadd.s32 $0xFFFFD800  }
0xe6: {  	[spmem:s3] =	stream.indirect.scatter.add.f32 [tilespmem:s17], [sflag:$0x5], $0x80, s28, s15, $0x2000b8;
	[tilespmem:$0x1FEA0] =	vst v63  }
0xe7: {  	_ =	swait.ge [sflag:s19], $0x2800  }
0xe8: {  	[sflag:s19] =	ssyncset.done $0x0  }
0xe9: {  	s28 =	simm.s32 $0x1E0;
	[sflag:s19] =	ssyncadd.s32 $0xFFFFD800  }
0xea: {  	[tilespmem:s16], [sflag:$0x1] =	stream.indirect.gather [hbm4b:s1+s15], $0x80, s28, s15, $0x2000b8;
	[tilespmem:$0x1FEA0] =	vst v63  }
0xeb: {  	_ =	swait.ge [sflag:s20], $0x2800  }
0xec: {  	[sflag:s20] =	ssyncset.done $0x0  }
0xed: {  	s28 =	simm.s32 $0x28A0;
	[sflag:s20] =	ssyncadd.s32 $0xFFFFD800  }
0xee: {  	[spmem:s3] =	stream.indirect.scatter.add.f32 [tilespmem:s18], [sflag:$0x6], $0x80, s28, s15, $0x2000b8;
	[tilespmem:$0x1FEA0] =	vst v63  }
0xef: {  	_ =	swait.ge [sflag:s21], $0x2800  }
0xf0: {  	[sflag:s21] =	ssyncset.done $0x0  }
0xf1: {  	s29 =	simm.s32 $0x230;
	s28 =	simm.s32 $0x3C0;
	[sflag:s21] =	ssyncadd.s32 $0xFFFFD800  }
.LBB2_4:
0xf2: {  	[tilespmem:s17], [sflag:$0x2] =	stream.indirect.gather [hbm4b:s1+s15], $0x80, s29, s15, $0x2000b8;
	[tilespmem:$0x1FEA0] =	vst v63  }
0xf3: {  	s29 =	smov.u32 s28  }
0xf4: {  	p0 =	sne.s32 s28, $0x9240;
	s28 =	sadd.s32 $0x3C0, s28;
	_ =	swait.ge [sflag:s5], $0x2800  }
0xf5: {  	s29 =	sshra.s32 s29, $0x2;
	[sflag:s5] =	ssyncset.done $0x0  }
0xf6: {  	s30 =	sadd.s32 $0x2800, s29;
	[sflag:s5] =	ssyncadd.s32 $0xFFFFD800  }
0xf7: {  	[spmem:s3] =	stream.indirect.scatter.add.f32 [tilespmem:s16], [sflag:$0x4], $0x80, s30, s15, $0x2000b8;
	[tilespmem:$0x1FEA0] =	vst v63  }
0xf8: {  	_ =	swait.ge [sflag:s25], $0x2800  }
0xf9: {  	[sflag:s25] =	ssyncset.done $0x0  }
0xfa: {  	s30 =	sadd.s32 $0x190, s29;
	[sflag:s25] =	ssyncadd.s32 $0xFFFFD800  }
0xfb: {  	[tilespmem:s18], [sflag:$0x3] =	stream.indirect.gather [hbm4b:s1+s15], $0x80, s30, s15, $0x2000b8;
	[tilespmem:$0x1FEA0] =	vst v63  }
0xfc: {  	_ =	swait.ge [sflag:s14], $0x2800  }
0xfd: {  	[sflag:s14] =	ssyncset.done $0x0  }
0xfe: {  	s30 =	sadd.s32 $0x2850, s29;
	[sflag:s14] =	ssyncadd.s32 $0xFFFFD800  }
0xff: {  	[spmem:s3] =	stream.indirect.scatter.add.f32 [tilespmem:s17], [sflag:$0x5], $0x80, s30, s15, $0x2000b8;
	[tilespmem:$0x1FEA0] =	vst v63  }
0x100: {  	_ =	swait.ge [sflag:s19], $0x2800  }
0x101: {  	[sflag:s19] =	ssyncset.done $0x0  }
0x102: {  	s30 =	sadd.s32 $0x1E0, s29;
	[sflag:s19] =	ssyncadd.s32 $0xFFFFD800  }
0x103: {  	[tilespmem:s16], [sflag:$0x1] =	stream.indirect.gather [hbm4b:s1+s15], $0x80, s30, s15, $0x2000b8;
	[tilespmem:$0x1FEA0] =	vst v63  }
0x104: {  	_ =	swait.ge [sflag:s20], $0x2800  }
0x105: {  	[sflag:s20] =	ssyncset.done $0x0  }
.Ltmp1:
0x106: {  	s30 =	sadd.s32 $0x28A0, s29;
	[sflag:s20] =	ssyncadd.s32 $0xFFFFD800;
	(pc) =	sbr.rel @p0 .LBB2_4-.Ltmp1, $4  }
0x107: {  	[spmem:s3] =	stream.indirect.scatter.add.f32 [tilespmem:s18], [sflag:$0x6], $0x80, s30, s15, $0x2000b8;
	[tilespmem:$0x1FEA0] =	vst v63  }
0x108: {  	_ =	swait.ge [sflag:s21], $0x2800  }
0x109: {  	[sflag:s21] =	ssyncset.done $0x0  }
0x10a: {  	s29 =	sadd.s32 $0x230, s29;
	[sflag:s21] =	ssyncadd.s32 $0xFFFFD800  }
0x10b: {  	[tilespmem:s17], [sflag:$0x2] =	stream.indirect.gather [hbm4b:s1+s15], $0x80, s29, s15, $0x2000b8;
	[tilespmem:$0x1FEA0] =	vst v63  }
0x10c: {  	_ =	swait.ge [sflag:s5], $0x2800  }
0x10d: {  	[sflag:s5] =	ssyncset.done $0x0  }
0x10e: {  	s28 =	simm.s32 $0x4D80;
	[sflag:s5] =	ssyncadd.s32 $0xFFFFD800  }
0x10f: {  	[spmem:s3] =	stream.indirect.scatter.add.f32 [tilespmem:s16], [sflag:$0x4], $0x80, s28, s15, $0x2000b8;
	[tilespmem:$0x1FEA0] =	vst v63  }
0x110: {  	_ =	swait.ge [sflag:s25], $0x2800  }
0x111: {  	[sflag:s25] =	ssyncset.done $0x0  }
0x112: {  	[sflag:s25] =	ssyncadd.s32 $0xFFFFD800  }
0x113: {  	_ =	swait.ge [sflag:s14], $0x2800  }
0x114: {  	[sflag:s14] =	ssyncset.done $0x0  }
0x115: {  	s30 =	simm.s32 $0x4DD0;
	[sflag:s14] =	ssyncadd.s32 $0xFFFFD800  }
0x116: {  	[spmem:s3] =	stream.indirect.scatter.add.f32 [tilespmem:s17], [sflag:$0x5], $0x80, s30, s15, $0x2000b8;
	[tilespmem:$0x1FEA0] =	vst v63  }
0x117: {  	_ =	swait.ge [sflag:s19], $0x2800  }
0x118: {  	[sflag:s19] =	ssyncset.done $0x0  }
0x119: {  	[sflag:s19] =	ssyncadd.s32 $0xFFFFD800  }
0x11a: {  	_ =	swait.ge [sflag:s21], $0x2800  }
0x11b: {  	[sflag:s21] =	ssyncset.done $0x0  }
0x11c: {  	[sflag:s21] =	ssyncadd.s32 $0xFFFFD800  }
0x11d: {  	[bflag:$0x0] =	sbarrier.arrive $0xFFFF  }
0x11e: {  	_ =	strace $0x9000004A  }
0x11f: {  	s29 =	stileid.u32;
	_ =	strace $0x8000004B  }
0x120: {  	s28 =	sshll.u32 s29, $0x6;
	s29 =	rddreg [dreg:$0xe]  }
0x121: {  	s28 =	sor.u32 $0x1C04, s28;
	s30 =	rddreg [dreg:$0x14]  }
0x122: {  	[hbm:s29], [sflag:s28] =	dma.local [spmem:s30], $0x7D0  }
0x123: {  	s29 =	sshrl.u32 s13, $0x3;
	s30 =	rddreg [dreg:$0xf]  }
0x124: {  	[hbm:s30], [sflag:s28] =	dma.local [spmem:s29], $0x7D0  }
0x125: {  	s29 =	sshrl.u32 s22, $0x3;
	s30 =	rddreg [dreg:$0x10]  }
0x126: {  	[hbm:s30], [sflag:s28] =	dma.local [spmem:s29], $0x7D0  }
0x127: {  	s29 =	sshrl.u32 s23, $0x3;
	s30 =	rddreg [dreg:$0x11]  }
0x128: {  	[hbm:s30], [sflag:s28] =	dma.local [spmem:s29], $0x7D0  }
0x129: {  	s29 =	sshrl.u32 s24, $0x3;
	s30 =	rddreg [dreg:$0x12]  }
0x12a: {  	[hbm:s30], [sflag:s28] =	dma.local [spmem:s29], $0x7D0  }
0x12b: {  	_ =	swait.ge [sflag:s19], $0x7D0  }
0x12c: {  	[sflag:s19] =	ssyncset.done $0x0  }
0x12d: {  	[sflag:s19] =	ssyncadd.s32 $0xFFFFF830  }
0x12e: {  	_ =	swait.ge [sflag:s19], $0x7D0  }
0x12f: {  	[sflag:s19] =	ssyncset.done $0x0  }
0x130: {  	[sflag:s19] =	ssyncadd.s32 $0xFFFFF830  }
0x131: {  	_ =	swait.ge [sflag:s19], $0x7D0  }
0x132: {  	[sflag:s19] =	ssyncset.done $0x0  }
0x133: {  	[sflag:s19] =	ssyncadd.s32 $0xFFFFF830  }
0x134: {  	_ =	swait.ge [sflag:s19], $0x7D0  }
0x135: {  	[sflag:s19] =	ssyncset.done $0x0  }
0x136: {  	[sflag:s19] =	ssyncadd.s32 $0xFFFFF830  }
0x137: {  	_ =	swait.ge [sflag:s19], $0x7D0  }
0x138: {  	s26 =	sadd.s32 $0x1, s26;
	s30 =	rddreg [dreg:$0x7]  }
0x139: {  	p0 =	sne.s32 s26, s30  }
.Ltmp2:
0x13a: {  	_ = 	snop;
	(pc) =	sbr.rel @p0 .LBB2_1-.Ltmp2, $4  }
0x13b: {  	_ = 	snop  }
0x13c: {  	[sflag:s19] =	ssyncset.done $0x0  }
0x13d: {  	[sflag:s19] =	ssyncadd.s32 $0xFFFFF830  }
0x13e: {  	_ =	strace $0x9000004B  }
0x13f: {  	_ =	sfence.sel $0x180000  }
0x140: {  	[bflag:$0x0] =	sbarrier.arrive $0xFFFF  }
0x141: {  	_ =	strace $0x90000047  }
0x142: {  	s0 =	stileid.u32;
	[bflag:$0x2] =	sbarrier.arrive $0xFFFF  }
0x143: {  	p0 =	sne.s32 s0, $0x0;
	s0 =	rddreg [dreg:$0x4]  }
0x144: {  	s0 =	sadd.s32 @!p0 $0x100000, s0  }
0x145: {  	[sflag:s0] =	ssyncadd.tile.s32 @!p0 $0x1;
	_ =	shalt  }
.Lfunc_end2:
_tile_overlayer_lowered:
.L_overlay_start_2:
0x146: {  	(tag) =	ssettag $0x2  }
0x147: {  	s0 =	rddreg [dreg:$0x0];
	s2 =	stileid.u32  }
0x148: {  	s1 =	rddreg [dreg:$0x1];
	p0 =	sne.s32 s2, $0x0  }
0x149: {  	s3 =	rddreg [dreg:$0x2];
	[bflag:$0x3] =	sbarrier.arrive $0xFFFF;
	s2 =	simm.s32 @!p0 $0x1C07  }
0x14a: {  	[timem:s3], [sflag:s2] =	dma.local @!p0 [hbm:s0], s1  }
0x14b: {  	s0 =	simm.s32 @!p0 $0x7  }
0x14c: {  	_ =	swait.ge @!p0 [sflag:s0], s1  }
0x14d: {  	s1 =	ssub.s32 @!p0 $0x0, s1;
	[sflag:s0] =	ssyncset.done @!p0 $0x0  }
0x14e: {  	[sflag:s0] =	ssyncadd.s32 @!p0 s1  }
0x14f: {  	[bflag:$0x3] =	sbarrier.arrive $0xFFFF  }
0x150: {  	_ =	shalt  }

</sc_bundles>
